<compile_context>
chip_gen: v7x
topology: tpu7x:2x2x1
jax: 0.10.2.dev20260603
libtpu: 0.0.44.dev20260713+nightly
codegen_flags: <defaults>
</compile_context>

<pallas_src>
import numpy as np
import jax
import jax.numpy as jnp
from jax import lax
from jax.experimental import pallas as pl
from jax.experimental.pallas import tpu as pltpu
from jax.experimental.pallas import tpu_sc as plsc

_N_FREQ = 5
_FREQS = np.array(
    [[1.0 / 1000.0 ** (2.0 * i / _N_FREQ)] * 2 for i in range(1, _N_FREQ + 1)],
    dtype=np.float32,
).reshape(1, -1)
_SHIFTS = np.array(
    [[0.0, np.pi / 2.0] for _ in range(1, _N_FREQ + 1)], dtype=np.float32
).reshape(1, -1)

_FQ2 = np.zeros((20, 2), dtype=np.float32)
_FQ2[0:10, 0] = _FREQS[0]
_FQ2[10:20, 1] = _FREQS[0]
_SH2 = np.concatenate([_SHIFTS[0], _SHIFTS[0]]).reshape(20, 1)

_INV2PI = float(np.float32(1.0 / (2.0 * np.pi)))
_PI2_HI = float(np.float32(2.0 * np.pi))
_PI2_LO = float(np.float32(2.0 * np.pi - np.float64(np.float32(2.0 * np.pi))))


def _sin_coeffs():
    r = np.linspace(-np.pi, np.pi, 20001)
    powers = (1, 3, 5, 7, 9, 11, 13)
    a = np.stack([r ** p for p in powers], axis=1)
    c, *_ = np.linalg.lstsq(a, np.sin(r), rcond=None)
    return [float(np.float32(v)) for v in c]


_SINC = _sin_coeffs()


def _fast_sin(x):
    k = jnp.round(x * _INV2PI)
    r = x - k * _PI2_HI
    r = r - k * _PI2_LO
    r2 = r * r
    p = jnp.float32(_SINC[6])
    for c in (_SINC[5], _SINC[4], _SINC[3], _SINC[2], _SINC[1], _SINC[0]):
        p = p * r2 + c
    return p * r

_BLK = 16000

_NTILES = 16
_LANE = 128
_ROWS = 160
_ROWS_LAST = 100
_FIRE = 8


def _mlp_body(ct_ref, motif_ref, fq2_ref, sh2_ref, wf_ref, bfw_ref,
              w1_ref, b1_ref, w2_ref, b2_ref, out_ref):
    ct = ct_ref[...]
    fq2 = fq2_ref[...]
    a = jnp.concatenate(
        [ct[0:1, :] * fq2[0:10, 0:1], ct[1:2, :] * fq2[10:20, 1:2]],
        axis=0) + sh2_ref[...]
    enc = _fast_sin(a)
    w = (jnp.sum(enc * wf_ref[...], axis=0, keepdims=True)
         + bfw_ref[0, 0])
    mt = lax.dot_general(w1_ref[...], motif_ref[...],
                         (((1,), (1,)), ((), ())),
                         precision=lax.Precision.HIGHEST,
                         preferred_element_type=jnp.float32)
    ht = jnp.maximum(mt * w + b1_ref[...], 0.0)
    out_ref[...] = (jnp.sum(ht * w2_ref[...], axis=0, keepdims=True)
                    + b2_ref[0, 0])


def _fragment_mlp(coordinates, motifcounts, W_fw, b_fw, W1, b1, W2, b2):
    n = coordinates.shape[0]
    nblk = n // _BLK
    e_row = pl.pallas_call(
        _mlp_body,
        grid=(nblk,),
        in_specs=[
            pl.BlockSpec((2, _BLK), lambda i: (0, i)),
            pl.BlockSpec((_BLK, 128), lambda i: (i, 0)),
            pl.BlockSpec((20, 2), lambda i: (0, 0)),
            pl.BlockSpec((20, 1), lambda i: (0, 0)),
            pl.BlockSpec((20, 1), lambda i: (0, 0)),
            pl.BlockSpec((1, 1), lambda i: (0, 0)),
            pl.BlockSpec((128, 128), lambda i: (0, 0)),
            pl.BlockSpec((128, 1), lambda i: (0, 0)),
            pl.BlockSpec((128, 1), lambda i: (0, 0)),
            pl.BlockSpec((1, 1), lambda i: (0, 0)),
        ],
        out_specs=pl.BlockSpec((1, _BLK), lambda i: (0, i)),
        out_shape=jax.ShapeDtypeStruct((1, n), jnp.float32),
    )(coordinates.T, motifcounts, jnp.asarray(_FQ2), jnp.asarray(_SH2),
      W_fw.reshape(20, 1), b_fw.reshape(1, 1), W1, b1.reshape(128, 1),
      W2.reshape(128, 1), b2.reshape(1, 1))
    return e_row.reshape(n, 1)


def _make_segment_sum(nsegs):
    slice_per_tile = nsegs // _NTILES
    mesh = plsc.VectorSubcoreMesh(core_axis_name="c", subcore_axis_name="s")

    def body(e_hbm, ix_hbm, bias_hbm, out_hbm,
             idx_v, vals_v, obuf, bias_v, acc, sem):
        core = lax.axis_index("c")
        sid = lax.axis_index("s")

        @pl.when(core == 0)
        def _():
            off = pl.multiple_of(sid * slice_per_tile, slice_per_tile)

            @pl.when(sid < _NTILES - 1)
            def _stage_full():
                row0 = pl.multiple_of(sid * _ROWS, _ROWS)
                pltpu.sync_copy(ix_hbm.at[pl.ds(row0, _ROWS)], idx_v)
                pltpu.sync_copy(e_hbm.at[pl.ds(row0, _ROWS)], vals_v)

            @pl.when(sid == _NTILES - 1)
            def _stage_last():
                row0 = (_NTILES - 1) * _ROWS
                pltpu.sync_copy(ix_hbm.at[pl.ds(row0, _ROWS_LAST)],
                                idx_v.at[pl.ds(0, _ROWS_LAST)])
                pltpu.sync_copy(e_hbm.at[pl.ds(row0, _ROWS_LAST)],
                                vals_v.at[pl.ds(0, _ROWS_LAST)])

            zvec = jnp.zeros((16,), jnp.float32)

            def zero(j, carry):
                obuf[pl.ds(pl.multiple_of(j * 16, 16), 16)] = zvec
                return carry
            lax.fori_loop(0, slice_per_tile // 16, zero, 0)
            pltpu.sync_copy(obuf, acc.at[pl.ds(off, slice_per_tile)])
            plsc.subcore_barrier()

            def chunk(i, carry):
                base = i * _FIRE
                cps = [
                    pltpu.async_copy(vals_v.at[base + u],
                                     acc.at[idx_v.at[base + u]], sem, add=True)
                    for u in range(_FIRE)
                ]
                for cp in cps:
                    cp.wait()
                return carry
            nchunks = jnp.where(sid == _NTILES - 1, _ROWS_LAST // _FIRE,
                                _ROWS // _FIRE)
            lax.fori_loop(0, nchunks, chunk, 0)

            @pl.when(sid == _NTILES - 1)
            def _tail():
                base = (_ROWS_LAST // _FIRE) * _FIRE
                cps = [
                    pltpu.async_copy(vals_v.at[base + u],
                                     acc.at[idx_v.at[base + u]], sem, add=True)
                    for u in range(_ROWS_LAST - (_ROWS_LAST // _FIRE) * _FIRE)
                ]
                for cp in cps:
                    cp.wait()
            plsc.subcore_barrier()

            pltpu.sync_copy(bias_hbm, bias_v)
            pltpu.sync_copy(acc.at[pl.ds(off, slice_per_tile)], obuf)
            bvecs = [bias_v[pl.ds(v * 16, 16)] for v in range(8)]

            def add_bias(r, carry):
                row = pl.multiple_of(r * 128, 128)
                for v in range(8):
                    o = pl.multiple_of(row + v * 16, 16)
                    obuf[pl.ds(o, 16)] = obuf[pl.ds(o, 16)] + bvecs[v]
                return carry
            lax.fori_loop(0, slice_per_tile // 128, add_bias, 0)
            pltpu.sync_copy(obuf, out_hbm.at[pl.ds(off, slice_per_tile)])

    return pl.kernel(
        body,
        out_type=jax.ShapeDtypeStruct((nsegs,), jnp.float32),
        mesh=mesh,
        scratch_types=[
            pltpu.VMEM((_ROWS, _LANE), jnp.int32),
            pltpu.VMEM((_ROWS, _LANE), jnp.float32),
            pltpu.VMEM((slice_per_tile,), jnp.float32),
            pltpu.VMEM((_LANE,), jnp.float32),
            pltpu.VMEM_SHARED((nsegs,), jnp.float32),
            pltpu.SemaphoreType.DMA,
        ],
    )


def kernel(coordinates, motifcounts, local_cellxgene_ix, genes_oi, n_cells,
           n_genes, W_fw, b_fw, W1, b1, W2, b2, bias1):
    n = coordinates.shape[0]
    n_genes_static = genes_oi.shape[0]
    n_cells_static = 2048
    nsegs = n_cells_static * n_genes_static

    e = _fragment_mlp(coordinates, motifcounts, W_fw, b_fw, W1, b1, W2, b2)

    e_rows = e.reshape(n // _LANE, _LANE)
    ix_rows = local_cellxgene_ix.reshape(n // _LANE, _LANE)
    drift = ((n_cells - n_cells_static) + (n_genes - n_genes_static))
    bias_pg = jnp.take(bias1, genes_oi) + drift * jnp.float32(0.0)

    pooled = _make_segment_sum(nsegs)(e_rows, ix_rows, bias_pg)
    return pooled.reshape(n_cells_static, n_genes_static)

# --- scband reference (transcript-rebuilt; emitter-appended) ---
"""Pipeline reference for scband-fragment-embedding-to-expression-39006892982597 (READ-ONLY COPY).

The authoritative reference and input builder live on the scoring server;
editing this copy changes nothing except your own understanding.
"""

import jax, jax.numpy as jnp
import numpy as np

N_FREQ = 5

def _sine_params():
    freqs = np.array([[1.0 / 1000.0 ** (2.0 * i / N_FREQ)] * 2 for i in range(1, N_FREQ + 1)], dtype=np.float32).reshape(-1)
    shifts = np.array([[0.0, np.pi / 2.0] for _ in range(1, N_FREQ + 1)], dtype=np.float32).reshape(-1)
    return jnp.asarray(freqs), jnp.asarray(shifts)

N_FRAG = 320000
N_COMP = 128
N_CELLS = 2048
N_GENES = 128

def setup_inputs(seed: int = 0) -> dict:
    key = jax.random.key(seed)
    ks = jax.random.split(key, 10)
    coordinates = jax.random.normal(ks[0], (N_FRAG, 2), dtype=jnp.float32)
    motifcounts = jax.random.uniform(ks[1], (N_FRAG, N_COMP), dtype=jnp.float32)
    local_cellxgene_ix = jnp.sort(jax.random.randint(ks[2], (N_FRAG,), 0, N_CELLS * N_GENES, dtype=jnp.int32))
    genes_oi = jnp.arange(N_GENES, dtype=jnp.int32)
    n_feat = N_FREQ * 2 * 2
    W_fw = jax.random.normal(ks[3], (1, n_feat), dtype=jnp.float32) / np.sqrt(n_feat)
    b_fw = jnp.zeros((1,), dtype=jnp.float32)
    W1 = jax.random.normal(ks[4], (N_COMP, N_COMP), dtype=jnp.float32) / np.sqrt(N_COMP)
    b1 = jnp.zeros((N_COMP,), dtype=jnp.float32)
    W2 = jax.random.normal(ks[5], (1, N_COMP), dtype=jnp.float32) * 0.02
    b2 = jnp.zeros((1,), dtype=jnp.float32)
    bias1 = jnp.zeros((N_GENES,), dtype=jnp.float32)
    return {"coordinates": coordinates, "motifcounts": motifcounts, "local_cellxgene_ix": local_cellxgene_ix, "genes_oi": genes_oi, "n_cells": N_CELLS, "n_genes": N_GENES, "W_fw": W_fw, "b_fw": b_fw, "W1": W1, "b1": b1, "W2": W2, "b2": b2, "bias1": bias1}

def reference(coordinates, motifcounts, local_cellxgene_ix, genes_oi, n_cells, n_genes, W_fw, b_fw, W1, b1, W2, b2, bias1):
    freqs, shifts = _sine_params()
    # FragmentSineEncoder + FragmentWeighter
    enc = jnp.sin((coordinates[..., None] * freqs + shifts).reshape(coordinates.shape[0], -1))
    weights = (enc @ W_fw.T + b_fw)[..., 0]
    # EmbeddingGenePooler
    emb = motifcounts * weights[:, None]
    h = jax.nn.relu(emb @ W1.T + b1)
    e = h @ W2.T + b2  # [N_FRAG, 1]
    n_genes_static = genes_oi.shape[0]
    n_cells_static = N_CELLS
    pooled = jax.ops.segment_sum(e, local_cellxgene_ix, num_segments=n_cells_static * n_genes_static)
    cell_gene_embedding = pooled.reshape(n_cells_static, n_genes_static, 1)
    # EmbeddingToExpression
    expression = cell_gene_embedding[..., 0] + bias1[genes_oi] + ((n_cells - n_cells_static) + (n_genes - n_genes_static)) * jnp.float32(0.0)
    return expression

if __name__ == "__main__":
    import jax
    _d = setup_inputs()
    print(jax.jit(kernel)(*tuple(_d.values())))

</pallas_src>

<mosaic_0001>
#map = affine_map<(d0, d1) -> (0, 0)>
#map1 = affine_map<(d0, d1) -> (0)>
module attributes {stable_mosaic.version = 14 : i64} {
  func.func @body(%arg0: i32, %arg1: i32, %arg2: memref<2500x128xf32, #tpu.memory_space<hbm>>, %arg3: memref<2500x128xi32, #tpu.memory_space<hbm>>, %arg4: memref<128xf32, #tpu.memory_space<hbm>>, %arg5: memref<262144xf32, #tpu.memory_space<hbm>>, %arg6: memref<160x128xi32, #tpu.memory_space<vmem>>, %arg7: memref<160x128xf32, #tpu.memory_space<vmem>>, %arg8: memref<16384xf32, #tpu.memory_space<vmem>>, %arg9: memref<128xf32, #tpu.memory_space<vmem>>, %arg10: memref<262144xf32, #tpu.memory_space<vmem_shared>>, %arg11: memref<!tpu.dma_semaphore, #tpu.memory_space<semaphore_mem>>) attributes {dimension_semantics = [#tpu.dimension_semantics<core_parallel>, #tpu.dimension_semantics<subcore_parallel>], iteration_bounds = array<i64: 2, 16>, scalar_prefetch = 0 : i64, scratch_operands = 6 : i64, tpu.core_type = #tpu.core_type<sc_vector_subcore>, window_params = [{transform_indices = #map}, {transform_indices = #map}, {transform_indices = #map1}, {transform_indices = #map1}]} {
    %eq3A = arith.constant 0 : i32
    %eq3A_0 = arith.cmpi eq, %arg0, %eq3A : i32
    %convert_element_type3A = arith.extui %eq3A_0 : i1 to i32
    %cond3A = arith.constant 0 : i32
    %cond3A_1 = arith.cmpi ne, %convert_element_type3A, %cond3A : i32
    scf.if %cond3A_1 {
      %mul3A = arith.constant 16384 : i32
      %mul3A_2 = arith.muli %arg1, %mul3A : i32
      %multiple_of3A = tpu.assume_multiple %mul3A_2, 16384 : i32
      %lt3A = arith.constant 15 : i32
      %lt3A_3 = arith.cmpi slt, %arg1, %lt3A : i32
      %convert_element_type3A_4 = arith.extui %lt3A_3 : i1 to i32
      %cond3A_5 = arith.constant 0 : i32
      %cond3A_6 = arith.cmpi ne, %convert_element_type3A_4, %cond3A_5 : i32
      scf.if %cond3A_6 {
        %mul3A_65 = arith.constant 160 : i32
        %mul3A_66 = arith.muli %arg1, %mul3A_65 : i32
        %multiple_of3A_67 = tpu.assume_multiple %mul3A_66, 160 : i32
        "tpu.region"() ({
          %run_scoped3A = tpu.sem_alloc : memref<!tpu.dma_semaphore, #tpu.memory_space<semaphore_mem>>
          %dma_start3A = arith.constant 0 : i32
          %dma_start3A_68 = tpu.memref_slice %arg3[%multiple_of3A_67, %dma_start3A] : memref<2500x128xi32, #tpu.memory_space<hbm>> -> memref<160x128xi32, #tpu.memory_space<hbm>>
          %dma_start3A_69 = arith.constant 0 : i32
          %dma_start3A_70 = tpu.memref_slice %arg3[%multiple_of3A_67, %dma_start3A_69] : memref<2500x128xi32, #tpu.memory_space<hbm>> -> memref<160x128xi32, #tpu.memory_space<hbm>>
          tpu.enqueue_dma source(%dma_start3A_70 : memref<160x128xi32, #tpu.memory_space<hbm>>) target(%arg6 : memref<160x128xi32, #tpu.memory_space<vmem>>) target_semaphore(%run_scoped3A : memref<!tpu.dma_semaphore, #tpu.memory_space<semaphore_mem>>)
          %dma_wait3A = arith.constant 0 : i32
          %dma_wait3A_71 = tpu.memref_slice %arg3[%multiple_of3A_67, %dma_wait3A] : memref<2500x128xi32, #tpu.memory_space<hbm>> -> memref<160x128xi32, #tpu.memory_space<hbm>>
          %dma_wait3A_72 = arith.constant 0 : i32
          %dma_wait3A_73 = tpu.memref_slice %arg3[%multiple_of3A_67, %dma_wait3A_72] : memref<2500x128xi32, #tpu.memory_space<hbm>> -> memref<160x128xi32, #tpu.memory_space<hbm>>
          tpu.wait_dma2 semaphore(%run_scoped3A : memref<!tpu.dma_semaphore, #tpu.memory_space<semaphore_mem>>) src(%dma_wait3A_73 : memref<160x128xi32, #tpu.memory_space<hbm>>) dst(%arg6 : memref<160x128xi32, #tpu.memory_space<vmem>>)
          tpu.yield
        }) : () -> ()
        "tpu.region"() ({
          %run_scoped3A = tpu.sem_alloc : memref<!tpu.dma_semaphore, #tpu.memory_space<semaphore_mem>>
          %dma_start3A = arith.constant 0 : i32
          %dma_start3A_68 = tpu.memref_slice %arg2[%multiple_of3A_67, %dma_start3A] : memref<2500x128xf32, #tpu.memory_space<hbm>> -> memref<160x128xf32, #tpu.memory_space<hbm>>
          %dma_start3A_69 = arith.constant 0 : i32
          %dma_start3A_70 = tpu.memref_slice %arg2[%multiple_of3A_67, %dma_start3A_69] : memref<2500x128xf32, #tpu.memory_space<hbm>> -> memref<160x128xf32, #tpu.memory_space<hbm>>
          tpu.enqueue_dma source(%dma_start3A_70 : memref<160x128xf32, #tpu.memory_space<hbm>>) target(%arg7 : memref<160x128xf32, #tpu.memory_space<vmem>>) target_semaphore(%run_scoped3A : memref<!tpu.dma_semaphore, #tpu.memory_space<semaphore_mem>>)
          %dma_wait3A = arith.constant 0 : i32
          %dma_wait3A_71 = tpu.memref_slice %arg2[%multiple_of3A_67, %dma_wait3A] : memref<2500x128xf32, #tpu.memory_space<hbm>> -> memref<160x128xf32, #tpu.memory_space<hbm>>
          %dma_wait3A_72 = arith.constant 0 : i32
          %dma_wait3A_73 = tpu.memref_slice %arg2[%multiple_of3A_67, %dma_wait3A_72] : memref<2500x128xf32, #tpu.memory_space<hbm>> -> memref<160x128xf32, #tpu.memory_space<hbm>>
          tpu.wait_dma2 semaphore(%run_scoped3A : memref<!tpu.dma_semaphore, #tpu.memory_space<semaphore_mem>>) src(%dma_wait3A_73 : memref<160x128xf32, #tpu.memory_space<hbm>>) dst(%arg7 : memref<160x128xf32, #tpu.memory_space<vmem>>)
          tpu.yield
        }) : () -> ()
      } else {
      }
      %eq3A_7 = arith.constant 15 : i32
      %eq3A_8 = arith.cmpi eq, %arg1, %eq3A_7 : i32
      %convert_element_type3A_9 = arith.extui %eq3A_8 : i1 to i32
      %cond3A_10 = arith.constant 0 : i32
      %cond3A_11 = arith.cmpi ne, %convert_element_type3A_9, %cond3A_10 : i32
      scf.if %cond3A_11 {
        "tpu.region"() ({
          %run_scoped3A = tpu.sem_alloc : memref<!tpu.dma_semaphore, #tpu.memory_space<semaphore_mem>>
          %dma_start3A = arith.constant 0 : i32
          %dma_start3A_65 = arith.constant 0 : i32
          %dma_start3A_66 = tpu.memref_slice %arg6[%dma_start3A, %dma_start3A_65] : memref<160x128xi32, #tpu.memory_space<vmem>> -> memref<100x128xi32, #tpu.memory_space<vmem>>
          %dma_start3A_67 = arith.constant 2400 : i32
          %dma_start3A_68 = arith.constant 0 : i32
          %dma_start3A_69 = tpu.memref_slice %arg3[%dma_start3A_67, %dma_start3A_68] : memref<2500x128xi32, #tpu.memory_space<hbm>> -> memref<100x128xi32, #tpu.memory_space<hbm>>
          %dma_start3A_70 = arith.constant 0 : i32
          %dma_start3A_71 = arith.constant 0 : i32
          %dma_start3A_72 = tpu.memref_slice %arg6[%dma_start3A_70, %dma_start3A_71] : memref<160x128xi32, #tpu.memory_space<vmem>> -> memref<100x128xi32, #tpu.memory_space<vmem>>
          %dma_start3A_73 = arith.constant 2400 : i32
          %dma_start3A_74 = arith.constant 0 : i32
          %dma_start3A_75 = tpu.memref_slice %arg3[%dma_start3A_73, %dma_start3A_74] : memref<2500x128xi32, #tpu.memory_space<hbm>> -> memref<100x128xi32, #tpu.memory_space<hbm>>
          tpu.enqueue_dma source(%dma_start3A_75 : memref<100x128xi32, #tpu.memory_space<hbm>>) target(%dma_start3A_72 : memref<100x128xi32, #tpu.memory_space<vmem>>) target_semaphore(%run_scoped3A : memref<!tpu.dma_semaphore, #tpu.memory_space<semaphore_mem>>)
          %dma_wait3A = arith.constant 0 : i32
          %dma_wait3A_76 = arith.constant 0 : i32
          %dma_wait3A_77 = tpu.memref_slice %arg6[%dma_wait3A, %dma_wait3A_76] : memref<160x128xi32, #tpu.memory_space<vmem>> -> memref<100x128xi32, #tpu.memory_space<vmem>>
          %dma_wait3A_78 = arith.constant 2400 : i32
          %dma_wait3A_79 = arith.constant 0 : i32
          %dma_wait3A_80 = tpu.memref_slice %arg3[%dma_wait3A_78, %dma_wait3A_79] : memref<2500x128xi32, #tpu.memory_space<hbm>> -> memref<100x128xi32, #tpu.memory_space<hbm>>
          %dma_wait3A_81 = arith.constant 0 : i32
          %dma_wait3A_82 = arith.constant 0 : i32
          %dma_wait3A_83 = tpu.memref_slice %arg6[%dma_wait3A_81, %dma_wait3A_82] : memref<160x128xi32, #tpu.memory_space<vmem>> -> memref<100x128xi32, #tpu.memory_space<vmem>>
          %dma_wait3A_84 = arith.constant 2400 : i32
          %dma_wait3A_85 = arith.constant 0 : i32
          %dma_wait3A_86 = tpu.memref_slice %arg3[%dma_wait3A_84, %dma_wait3A_85] : memref<2500x128xi32, #tpu.memory_space<hbm>> -> memref<100x128xi32, #tpu.memory_space<hbm>>
          tpu.wait_dma2 semaphore(%run_scoped3A : memref<!tpu.dma_semaphore, #tpu.memory_space<semaphore_mem>>) src(%dma_wait3A_86 : memref<100x128xi32, #tpu.memory_space<hbm>>) dst(%dma_wait3A_83 : memref<100x128xi32, #tpu.memory_space<vmem>>)
          tpu.yield
        }) : () -> ()
        "tpu.region"() ({
          %run_scoped3A = tpu.sem_alloc : memref<!tpu.dma_semaphore, #tpu.memory_space<semaphore_mem>>
          %dma_start3A = arith.constant 0 : i32
          %dma_start3A_65 = arith.constant 0 : i32
          %dma_start3A_66 = tpu.memref_slice %arg7[%dma_start3A, %dma_start3A_65] : memref<160x128xf32, #tpu.memory_space<vmem>> -> memref<100x128xf32, #tpu.memory_space<vmem>>
          %dma_start3A_67 = arith.constant 2400 : i32
          %dma_start3A_68 = arith.constant 0 : i32
          %dma_start3A_69 = tpu.memref_slice %arg2[%dma_start3A_67, %dma_start3A_68] : memref<2500x128xf32, #tpu.memory_space<hbm>> -> memref<100x128xf32, #tpu.memory_space<hbm>>
          %dma_start3A_70 = arith.constant 0 : i32
          %dma_start3A_71 = arith.constant 0 : i32
          %dma_start3A_72 = tpu.memref_slice %arg7[%dma_start3A_70, %dma_start3A_71] : memref<160x128xf32, #tpu.memory_space<vmem>> -> memref<100x128xf32, #tpu.memory_space<vmem>>
          %dma_start3A_73 = arith.constant 2400 : i32
          %dma_start3A_74 = arith.constant 0 : i32
          %dma_start3A_75 = tpu.memref_slice %arg2[%dma_start3A_73, %dma_start3A_74] : memref<2500x128xf32, #tpu.memory_space<hbm>> -> memref<100x128xf32, #tpu.memory_space<hbm>>
          tpu.enqueue_dma source(%dma_start3A_75 : memref<100x128xf32, #tpu.memory_space<hbm>>) target(%dma_start3A_72 : memref<100x128xf32, #tpu.memory_space<vmem>>) target_semaphore(%run_scoped3A : memref<!tpu.dma_semaphore, #tpu.memory_space<semaphore_mem>>)
          %dma_wait3A = arith.constant 0 : i32
          %dma_wait3A_76 = arith.constant 0 : i32
          %dma_wait3A_77 = tpu.memref_slice %arg7[%dma_wait3A, %dma_wait3A_76] : memref<160x128xf32, #tpu.memory_space<vmem>> -> memref<100x128xf32, #tpu.memory_space<vmem>>
          %dma_wait3A_78 = arith.constant 2400 : i32
          %dma_wait3A_79 = arith.constant 0 : i32
          %dma_wait3A_80 = tpu.memref_slice %arg2[%dma_wait3A_78, %dma_wait3A_79] : memref<2500x128xf32, #tpu.memory_space<hbm>> -> memref<100x128xf32, #tpu.memory_space<hbm>>
          %dma_wait3A_81 = arith.constant 0 : i32
          %dma_wait3A_82 = arith.constant 0 : i32
          %dma_wait3A_83 = tpu.memref_slice %arg7[%dma_wait3A_81, %dma_wait3A_82] : memref<160x128xf32, #tpu.memory_space<vmem>> -> memref<100x128xf32, #tpu.memory_space<vmem>>
          %dma_wait3A_84 = arith.constant 2400 : i32
          %dma_wait3A_85 = arith.constant 0 : i32
          %dma_wait3A_86 = tpu.memref_slice %arg2[%dma_wait3A_84, %dma_wait3A_85] : memref<2500x128xf32, #tpu.memory_space<hbm>> -> memref<100x128xf32, #tpu.memory_space<hbm>>
          tpu.wait_dma2 semaphore(%run_scoped3A : memref<!tpu.dma_semaphore, #tpu.memory_space<semaphore_mem>>) src(%dma_wait3A_86 : memref<100x128xf32, #tpu.memory_space<hbm>>) dst(%dma_wait3A_83 : memref<100x128xf32, #tpu.memory_space<vmem>>)
          tpu.yield
        }) : () -> ()
      } else {
      }
      %broadcast_in_dim3A = arith.constant 0.000000e+00 : f32
      %broadcast_in_dim3A_12 = vector.broadcast %broadcast_in_dim3A : f32 to vector<16xf32>
      %scan3A = arith.constant 0 : i32
      %scan3A_13 = arith.constant 0 : i32
      %scan3A_14 = arith.constant 1024 : i32
      %scan3A_15 = arith.addi %scan3A_13, %scan3A_14 : i32
      %scan3A_16 = arith.constant 1 : i32
      scf.for %scan3A_65 = %scan3A_13 to %scan3A_15 step %scan3A_16  : i32 {
        %mul3A_66 = arith.constant 16 : i32
        %mul3A_67 = arith.muli %scan3A_65, %mul3A_66 : i32
        %multiple_of3A_68 = tpu.assume_multiple %mul3A_67, 16 : i32
        %swap3A = arith.index_cast %multiple_of3A_68 : i32 to index
        %swap3A_69 = tpu.vector_load %arg8[%swap3A] {strides = array<i32>} : memref<16384xf32, #tpu.memory_space<vmem>>, vector<16xf32>,
        %swap3A_70 = vector.shape_cast %swap3A_69 : vector<16xf32> to vector<16xf32>
        %swap3A_71 = vector.shape_cast %broadcast_in_dim3A_12 : vector<16xf32> to vector<16xf32>
        tpu.vector_store %arg8[%swap3A], %swap3A_71 {strides = array<i32>} : memref<16384xf32, #tpu.memory_space<vmem>>, vector<16xf32>,
      }
      %scan3A_17 = arith.constant 1024 : i32
      "tpu.region"() ({
        %run_scoped3A = tpu.sem_alloc : memref<!tpu.dma_semaphore, #tpu.memory_space<semaphore_mem>>
        %dma_start3A = tpu.memref_slice %arg10[%multiple_of3A] : memref<262144xf32, #tpu.memory_space<vmem_shared>> -> memref<16384xf32, #tpu.memory_space<vmem_shared>>
        %dma_start3A_65 = tpu.memref_slice %arg10[%multiple_of3A] : memref<262144xf32, #tpu.memory_space<vmem_shared>> -> memref<16384xf32, #tpu.memory_space<vmem_shared>>
        tpu.enqueue_dma source(%arg8 : memref<16384xf32, #tpu.memory_space<vmem>>) target(%dma_start3A_65 : memref<16384xf32, #tpu.memory_space<vmem_shared>>) target_semaphore(%run_scoped3A : memref<!tpu.dma_semaphore, #tpu.memory_space<semaphore_mem>>)
        %dma_wait3A = tpu.memref_slice %arg10[%multiple_of3A] : memref<262144xf32, #tpu.memory_space<vmem_shared>> -> memref<16384xf32, #tpu.memory_space<vmem_shared>>
        %dma_wait3A_66 = tpu.memref_slice %arg10[%multiple_of3A] : memref<262144xf32, #tpu.memory_space<vmem_shared>> -> memref<16384xf32, #tpu.memory_space<vmem_shared>>
        tpu.wait_dma2 semaphore(%run_scoped3A : memref<!tpu.dma_semaphore, #tpu.memory_space<semaphore_mem>>) src(%arg8 : memref<16384xf32, #tpu.memory_space<vmem>>) dst(%dma_wait3A_66 : memref<16384xf32, #tpu.memory_space<vmem_shared>>)
        tpu.yield
      }) : () -> ()
      %barrier3A = arith.constant 0 : index
      tpu.barrier barrier_id(%barrier3A)
      %eq3A_18 = arith.constant 15 : i32
      %eq3A_19 = arith.cmpi eq, %arg1, %eq3A_18 : i32
      %jit3A = arith.constant 12 : i32
      %jit3A_20 = arith.constant 20 : i32
      %select_n3A = arith.select %eq3A_19, %jit3A, %jit3A_20 : i32
      %while3A = arith.constant 0 : i32
      %while3A_21 = arith.constant 0 : i32
      %while3A_22 = arith.subi %select_n3A, %while3A_21 : i32
      %while3A_23 = arith.addi %while3A_21, %while3A_22 : i32
      %while3A_24 = arith.constant 1 : i32
      %while3A_25 = arith.divsi %while3A_22, %while3A_24 : i32
      %while3A_26 = arith.muli %while3A_25, %while3A_24 : i32
      %while3A_27 = arith.addi %while3A_21, %while3A_26 : i32
      %while3A_28 = arith.constant 1 : i32
      scf.for %while3A_65 = %while3A_21 to %while3A_27 step %while3A_28  : i32 {
        %mul3A_66 = arith.constant 8 : i32
        %mul3A_67 = arith.muli %while3A_65, %mul3A_66 : i32
        %add3A = arith.constant 0 : i32
        %add3A_68 = arith.addi %mul3A_67, %add3A : i32
        %add3A_69 = arith.constant 0 : i32
        %add3A_70 = arith.addi %mul3A_67, %add3A_69 : i32
        %dma_start3A = arith.constant 0 : i32
        %dma_start3A_71 = tpu.memref_slice %arg7[%add3A_68, %dma_start3A] : memref<160x128xf32, #tpu.memory_space<vmem>> -> memref<1x128xf32, #tpu.memory_space<vmem>>
        %dma_start3A_72 = tpu.memref_squeeze %dma_start3A_71 : memref<1x128xf32, #tpu.memory_space<vmem>> -> memref<128xf32, #tpu.memory_space<vmem>>
        %dma_start3A_73 = arith.constant 0 : i32
        %dma_start3A_74 = tpu.memref_slice %arg6[%add3A_70, %dma_start3A_73] : memref<160x128xi32, #tpu.memory_space<vmem>> -> memref<1x128xi32, #tpu.memory_space<vmem>>
        %dma_start3A_75 = tpu.memref_squeeze %dma_start3A_74 : memref<1x128xi32, #tpu.memory_space<vmem>> -> memref<128xi32, #tpu.memory_space<vmem>>
        %dma_start3A_76 = arith.constant 0 : i32
        %dma_start3A_77 = tpu.memref_slice %arg10[%dma_start3A_76] : memref<262144xf32, #tpu.memory_space<vmem_shared>> -> memref<262144xf32, #tpu.memory_space<vmem_shared>>
        tpu.enqueue_indirect_dma source(%dma_start3A_72 : memref<128xf32, #tpu.memory_space<vmem>>) target(%dma_start3A_77 : memref<262144xf32, #tpu.memory_space<vmem_shared>>) offsets(%dma_start3A_75 : memref<128xi32, #tpu.memory_space<vmem>>) semaphore(%arg11 : memref<!tpu.dma_semaphore, #tpu.memory_space<semaphore_mem>>) {add = true}
        %add3A_78 = arith.constant 1 : i32
        %add3A_79 = arith.addi %mul3A_67, %add3A_78 : i32
        %add3A_80 = arith.constant 1 : i32
        %add3A_81 = arith.addi %mul3A_67, %add3A_80 : i32
        %dma_start3A_82 = arith.constant 0 : i32
        %dma_start3A_83 = tpu.memref_slice %arg7[%add3A_79, %dma_start3A_82] : memref<160x128xf32, #tpu.memory_space<vmem>> -> memref<1x128xf32, #tpu.memory_space<vmem>>
        %dma_start3A_84 = tpu.memref_squeeze %dma_start3A_83 : memref<1x128xf32, #tpu.memory_space<vmem>> -> memref<128xf32, #tpu.memory_space<vmem>>
        %dma_start3A_85 = arith.constant 0 : i32
        %dma_start3A_86 = tpu.memref_slice %arg6[%add3A_81, %dma_start3A_85] : memref<160x128xi32, #tpu.memory_space<vmem>> -> memref<1x128xi32, #tpu.memory_space<vmem>>
        %dma_start3A_87 = tpu.memref_squeeze %dma_start3A_86 : memref<1x128xi32, #tpu.memory_space<vmem>> -> memref<128xi32, #tpu.memory_space<vmem>>
        %dma_start3A_88 = arith.constant 0 : i32
        %dma_start3A_89 = tpu.memref_slice %arg10[%dma_start3A_88] : memref<262144xf32, #tpu.memory_space<vmem_shared>> -> memref<262144xf32, #tpu.memory_space<vmem_shared>>
        tpu.enqueue_indirect_dma source(%dma_start3A_84 : memref<128xf32, #tpu.memory_space<vmem>>) target(%dma_start3A_89 : memref<262144xf32, #tpu.memory_space<vmem_shared>>) offsets(%dma_start3A_87 : memref<128xi32, #tpu.memory_space<vmem>>) semaphore(%arg11 : memref<!tpu.dma_semaphore, #tpu.memory_space<semaphore_mem>>) {add = true}
        %add3A_90 = arith.constant 2 : i32
        %add3A_91 = arith.addi %mul3A_67, %add3A_90 : i32
        %add3A_92 = arith.constant 2 : i32
        %add3A_93 = arith.addi %mul3A_67, %add3A_92 : i32
        %dma_start3A_94 = arith.constant 0 : i32
        %dma_start3A_95 = tpu.memref_slice %arg7[%add3A_91, %dma_start3A_94] : memref<160x128xf32, #tpu.memory_space<vmem>> -> memref<1x128xf32, #tpu.memory_space<vmem>>
        %dma_start3A_96 = tpu.memref_squeeze %dma_start3A_95 : memref<1x128xf32, #tpu.memory_space<vmem>> -> memref<128xf32, #tpu.memory_space<vmem>>
        %dma_start3A_97 = arith.constant 0 : i32
        %dma_start3A_98 = tpu.memref_slice %arg6[%add3A_93, %dma_start3A_97] : memref<160x128xi32, #tpu.memory_space<vmem>> -> memref<1x128xi32, #tpu.memory_space<vmem>>
        %dma_start3A_99 = tpu.memref_squeeze %dma_start3A_98 : memref<1x128xi32, #tpu.memory_space<vmem>> -> memref<128xi32, #tpu.memory_space<vmem>>
        %dma_start3A_100 = arith.constant 0 : i32
        %dma_start3A_101 = tpu.memref_slice %arg10[%dma_start3A_100] : memref<262144xf32, #tpu.memory_space<vmem_shared>> -> memref<262144xf32, #tpu.memory_space<vmem_shared>>
        tpu.enqueue_indirect_dma source(%dma_start3A_96 : memref<128xf32, #tpu.memory_space<vmem>>) target(%dma_start3A_101 : memref<262144xf32, #tpu.memory_space<vmem_shared>>) offsets(%dma_start3A_99 : memref<128xi32, #tpu.memory_space<vmem>>) semaphore(%arg11 : memref<!tpu.dma_semaphore, #tpu.memory_space<semaphore_mem>>) {add = true}
        %add3A_102 = arith.constant 3 : i32
        %add3A_103 = arith.addi %mul3A_67, %add3A_102 : i32
        %add3A_104 = arith.constant 3 : i32
        %add3A_105 = arith.addi %mul3A_67, %add3A_104 : i32
        %dma_start3A_106 = arith.constant 0 : i32
        %dma_start3A_107 = tpu.memref_slice %arg7[%add3A_103, %dma_start3A_106] : memref<160x128xf32, #tpu.memory_space<vmem>> -> memref<1x128xf32, #tpu.memory_space<vmem>>
        %dma_start3A_108 = tpu.memref_squeeze %dma_start3A_107 : memref<1x128xf32, #tpu.memory_space<vmem>> -> memref<128xf32, #tpu.memory_space<vmem>>
        %dma_start3A_109 = arith.constant 0 : i32
        %dma_start3A_110 = tpu.memref_slice %arg6[%add3A_105, %dma_start3A_109] : memref<160x128xi32, #tpu.memory_space<vmem>> -> memref<1x128xi32, #tpu.memory_space<vmem>>
        %dma_start3A_111 = tpu.memref_squeeze %dma_start3A_110 : memref<1x128xi32, #tpu.memory_space<vmem>> -> memref<128xi32, #tpu.memory_space<vmem>>
        %dma_start3A_112 = arith.constant 0 : i32
        %dma_start3A_113 = tpu.memref_slice %arg10[%dma_start3A_112] : memref<262144xf32, #tpu.memory_space<vmem_shared>> -> memref<262144xf32, #tpu.memory_space<vmem_shared>>
        tpu.enqueue_indirect_dma source(%dma_start3A_108 : memref<128xf32, #tpu.memory_space<vmem>>) target(%dma_start3A_113 : memref<262144xf32, #tpu.memory_space<vmem_shared>>) offsets(%dma_start3A_111 : memref<128xi32, #tpu.memory_space<vmem>>) semaphore(%arg11 : memref<!tpu.dma_semaphore, #tpu.memory_space<semaphore_mem>>) {add = true}
        %add3A_114 = arith.constant 4 : i32
        %add3A_115 = arith.addi %mul3A_67, %add3A_114 : i32
        %add3A_116 = arith.constant 4 : i32
        %add3A_117 = arith.addi %mul3A_67, %add3A_116 : i32
        %dma_start3A_118 = arith.constant 0 : i32
        %dma_start3A_119 = tpu.memref_slice %arg7[%add3A_115, %dma_start3A_118] : memref<160x128xf32, #tpu.memory_space<vmem>> -> memref<1x128xf32, #tpu.memory_space<vmem>>
        %dma_start3A_120 = tpu.memref_squeeze %dma_start3A_119 : memref<1x128xf32, #tpu.memory_space<vmem>> -> memref<128xf32, #tpu.memory_space<vmem>>
        %dma_start3A_121 = arith.constant 0 : i32
        %dma_start3A_122 = tpu.memref_slice %arg6[%add3A_117, %dma_start3A_121] : memref<160x128xi32, #tpu.memory_space<vmem>> -> memref<1x128xi32, #tpu.memory_space<vmem>>
        %dma_start3A_123 = tpu.memref_squeeze %dma_start3A_122 : memref<1x128xi32, #tpu.memory_space<vmem>> -> memref<128xi32, #tpu.memory_space<vmem>>
        %dma_start3A_124 = arith.constant 0 : i32
        %dma_start3A_125 = tpu.memref_slice %arg10[%dma_start3A_124] : memref<262144xf32, #tpu.memory_space<vmem_shared>> -> memref<262144xf32, #tpu.memory_space<vmem_shared>>
        tpu.enqueue_indirect_dma source(%dma_start3A_120 : memref<128xf32, #tpu.memory_space<vmem>>) target(%dma_start3A_125 : memref<262144xf32, #tpu.memory_space<vmem_shared>>) offsets(%dma_start3A_123 : memref<128xi32, #tpu.memory_space<vmem>>) semaphore(%arg11 : memref<!tpu.dma_semaphore, #tpu.memory_space<semaphore_mem>>) {add = true}
        %add3A_126 = arith.constant 5 : i32
        %add3A_127 = arith.addi %mul3A_67, %add3A_126 : i32
        %add3A_128 = arith.constant 5 : i32
        %add3A_129 = arith.addi %mul3A_67, %add3A_128 : i32
        %dma_start3A_130 = arith.constant 0 : i32
        %dma_start3A_131 = tpu.memref_slice %arg7[%add3A_127, %dma_start3A_130] : memref<160x128xf32, #tpu.memory_space<vmem>> -> memref<1x128xf32, #tpu.memory_space<vmem>>
        %dma_start3A_132 = tpu.memref_squeeze %dma_start3A_131 : memref<1x128xf32, #tpu.memory_space<vmem>> -> memref<128xf32, #tpu.memory_space<vmem>>
        %dma_start3A_133 = arith.constant 0 : i32
        %dma_start3A_134 = tpu.memref_slice %arg6[%add3A_129, %dma_start3A_133] : memref<160x128xi32, #tpu.memory_space<vmem>> -> memref<1x128xi32, #tpu.memory_space<vmem>>
        %dma_start3A_135 = tpu.memref_squeeze %dma_start3A_134 : memref<1x128xi32, #tpu.memory_space<vmem>> -> memref<128xi32, #tpu.memory_space<vmem>>
        %dma_start3A_136 = arith.constant 0 : i32
        %dma_start3A_137 = tpu.memref_slice %arg10[%dma_start3A_136] : memref<262144xf32, #tpu.memory_space<vmem_shared>> -> memref<262144xf32, #tpu.memory_space<vmem_shared>>
        tpu.enqueue_indirect_dma source(%dma_start3A_132 : memref<128xf32, #tpu.memory_space<vmem>>) target(%dma_start3A_137 : memref<262144xf32, #tpu.memory_space<vmem_shared>>) offsets(%dma_start3A_135 : memref<128xi32, #tpu.memory_space<vmem>>) semaphore(%arg11 : memref<!tpu.dma_semaphore, #tpu.memory_space<semaphore_mem>>) {add = true}
        %add3A_138 = arith.constant 6 : i32
        %add3A_139 = arith.addi %mul3A_67, %add3A_138 : i32
        %add3A_140 = arith.constant 6 : i32
        %add3A_141 = arith.addi %mul3A_67, %add3A_140 : i32
        %dma_start3A_142 = arith.constant 0 : i32
        %dma_start3A_143 = tpu.memref_slice %arg7[%add3A_139, %dma_start3A_142] : memref<160x128xf32, #tpu.memory_space<vmem>> -> memref<1x128xf32, #tpu.memory_space<vmem>>
        %dma_start3A_144 = tpu.memref_squeeze %dma_start3A_143 : memref<1x128xf32, #tpu.memory_space<vmem>> -> memref<128xf32, #tpu.memory_space<vmem>>
        %dma_start3A_145 = arith.constant 0 : i32
        %dma_start3A_146 = tpu.memref_slice %arg6[%add3A_141, %dma_start3A_145] : memref<160x128xi32, #tpu.memory_space<vmem>> -> memref<1x128xi32, #tpu.memory_space<vmem>>
        %dma_start3A_147 = tpu.memref_squeeze %dma_start3A_146 : memref<1x128xi32, #tpu.memory_space<vmem>> -> memref<128xi32, #tpu.memory_space<vmem>>
        %dma_start3A_148 = arith.constant 0 : i32
        %dma_start3A_149 = tpu.memref_slice %arg10[%dma_start3A_148] : memref<262144xf32, #tpu.memory_space<vmem_shared>> -> memref<262144xf32, #tpu.memory_space<vmem_shared>>
        tpu.enqueue_indirect_dma source(%dma_start3A_144 : memref<128xf32, #tpu.memory_space<vmem>>) target(%dma_start3A_149 : memref<262144xf32, #tpu.memory_space<vmem_shared>>) offsets(%dma_start3A_147 : memref<128xi32, #tpu.memory_space<vmem>>) semaphore(%arg11 : memref<!tpu.dma_semaphore, #tpu.memory_space<semaphore_mem>>) {add = true}
        %add3A_150 = arith.constant 7 : i32
        %add3A_151 = arith.addi %mul3A_67, %add3A_150 : i32
        %add3A_152 = arith.constant 7 : i32
        %add3A_153 = arith.addi %mul3A_67, %add3A_152 : i32
        %dma_start3A_154 = arith.constant 0 : i32
        %dma_start3A_155 = tpu.memref_slice %arg7[%add3A_151, %dma_start3A_154] : memref<160x128xf32, #tpu.memory_space<vmem>> -> memref<1x128xf32, #tpu.memory_space<vmem>>
        %dma_start3A_156 = tpu.memref_squeeze %dma_start3A_155 : memref<1x128xf32, #tpu.memory_space<vmem>> -> memref<128xf32, #tpu.memory_space<vmem>>
        %dma_start3A_157 = arith.constant 0 : i32
        %dma_start3A_158 = tpu.memref_slice %arg6[%add3A_153, %dma_start3A_157] : memref<160x128xi32, #tpu.memory_space<vmem>> -> memref<1x128xi32, #tpu.memory_space<vmem>>
        %dma_start3A_159 = tpu.memref_squeeze %dma_start3A_158 : memref<1x128xi32, #tpu.memory_space<vmem>> -> memref<128xi32, #tpu.memory_space<vmem>>
        %dma_start3A_160 = arith.constant 0 : i32
        %dma_start3A_161 = tpu.memref_slice %arg10[%dma_start3A_160] : memref<262144xf32, #tpu.memory_space<vmem_shared>> -> memref<262144xf32, #tpu.memory_space<vmem_shared>>
        tpu.enqueue_indirect_dma source(%dma_start3A_156 : memref<128xf32, #tpu.memory_space<vmem>>) target(%dma_start3A_161 : memref<262144xf32, #tpu.memory_space<vmem_shared>>) offsets(%dma_start3A_159 : memref<128xi32, #tpu.memory_space<vmem>>) semaphore(%arg11 : memref<!tpu.dma_semaphore, #tpu.memory_space<semaphore_mem>>) {add = true}
        %dma_wait3A = arith.constant 0 : i32
        %dma_wait3A_162 = tpu.memref_slice %arg7[%add3A_68, %dma_wait3A] : memref<160x128xf32, #tpu.memory_space<vmem>> -> memref<1x128xf32, #tpu.memory_space<vmem>>
        %dma_wait3A_163 = tpu.memref_squeeze %dma_wait3A_162 : memref<1x128xf32, #tpu.memory_space<vmem>> -> memref<128xf32, #tpu.memory_space<vmem>>
        %dma_wait3A_164 = arith.constant 0 : i32
        %dma_wait3A_165 = tpu.memref_slice %arg6[%add3A_70, %dma_wait3A_164] : memref<160x128xi32, #tpu.memory_space<vmem>> -> memref<1x128xi32, #tpu.memory_space<vmem>>
        %dma_wait3A_166 = tpu.memref_squeeze %dma_wait3A_165 : memref<1x128xi32, #tpu.memory_space<vmem>> -> memref<128xi32, #tpu.memory_space<vmem>>
        %dma_wait3A_167 = arith.constant 0 : i32
        %dma_wait3A_168 = tpu.memref_slice %arg10[%dma_wait3A_167] : memref<262144xf32, #tpu.memory_space<vmem_shared>> -> memref<262144xf32, #tpu.memory_space<vmem_shared>>
        tpu.wait_indirect_dma semaphore(%arg11 : memref<!tpu.dma_semaphore, #tpu.memory_space<semaphore_mem>>) src(%dma_wait3A_163 : memref<128xf32, #tpu.memory_space<vmem>>) dst(%dma_wait3A_168 : memref<262144xf32, #tpu.memory_space<vmem_shared>>)
        %dma_wait3A_169 = arith.constant 0 : i32
        %dma_wait3A_170 = tpu.memref_slice %arg7[%add3A_79, %dma_wait3A_169] : memref<160x128xf32, #tpu.memory_space<vmem>> -> memref<1x128xf32, #tpu.memory_space<vmem>>
        %dma_wait3A_171 = tpu.memref_squeeze %dma_wait3A_170 : memref<1x128xf32, #tpu.memory_space<vmem>> -> memref<128xf32, #tpu.memory_space<vmem>>
        %dma_wait3A_172 = arith.constant 0 : i32
        %dma_wait3A_173 = tpu.memref_slice %arg6[%add3A_81, %dma_wait3A_172] : memref<160x128xi32, #tpu.memory_space<vmem>> -> memref<1x128xi32, #tpu.memory_space<vmem>>
        %dma_wait3A_174 = tpu.memref_squeeze %dma_wait3A_173 : memref<1x128xi32, #tpu.memory_space<vmem>> -> memref<128xi32, #tpu.memory_space<vmem>>
        %dma_wait3A_175 = arith.constant 0 : i32
        %dma_wait3A_176 = tpu.memref_slice %arg10[%dma_wait3A_175] : memref<262144xf32, #tpu.memory_space<vmem_shared>> -> memref<262144xf32, #tpu.memory_space<vmem_shared>>
        tpu.wait_indirect_dma semaphore(%arg11 : memref<!tpu.dma_semaphore, #tpu.memory_space<semaphore_mem>>) src(%dma_wait3A_171 : memref<128xf32, #tpu.memory_space<vmem>>) dst(%dma_wait3A_176 : memref<262144xf32, #tpu.memory_space<vmem_shared>>)
        %dma_wait3A_177 = arith.constant 0 : i32
        %dma_wait3A_178 = tpu.memref_slice %arg7[%add3A_91, %dma_wait3A_177] : memref<160x128xf32, #tpu.memory_space<vmem>> -> memref<1x128xf32, #tpu.memory_space<vmem>>
        %dma_wait3A_179 = tpu.memref_squeeze %dma_wait3A_178 : memref<1x128xf32, #tpu.memory_space<vmem>> -> memref<128xf32, #tpu.memory_space<vmem>>
        %dma_wait3A_180 = arith.constant 0 : i32
        %dma_wait3A_181 = tpu.memref_slice %arg6[%add3A_93, %dma_wait3A_180] : memref<160x128xi32, #tpu.memory_space<vmem>> -> memref<1x128xi32, #tpu.memory_space<vmem>>
        %dma_wait3A_182 = tpu.memref_squeeze %dma_wait3A_181 : memref<1x128xi32, #tpu.memory_space<vmem>> -> memref<128xi32, #tpu.memory_space<vmem>>
        %dma_wait3A_183 = arith.constant 0 : i32
        %dma_wait3A_184 = tpu.memref_slice %arg10[%dma_wait3A_183] : memref<262144xf32, #tpu.memory_space<vmem_shared>> -> memref<262144xf32, #tpu.memory_space<vmem_shared>>
        tpu.wait_indirect_dma semaphore(%arg11 : memref<!tpu.dma_semaphore, #tpu.memory_space<semaphore_mem>>) src(%dma_wait3A_179 : memref<128xf32, #tpu.memory_space<vmem>>) dst(%dma_wait3A_184 : memref<262144xf32, #tpu.memory_space<vmem_shared>>)
        %dma_wait3A_185 = arith.constant 0 : i32
        %dma_wait3A_186 = tpu.memref_slice %arg7[%add3A_103, %dma_wait3A_185] : memref<160x128xf32, #tpu.memory_space<vmem>> -> memref<1x128xf32, #tpu.memory_space<vmem>>
        %dma_wait3A_187 = tpu.memref_squeeze %dma_wait3A_186 : memref<1x128xf32, #tpu.memory_space<vmem>> -> memref<128xf32, #tpu.memory_space<vmem>>
        %dma_wait3A_188 = arith.constant 0 : i32
        %dma_wait3A_189 = tpu.memref_slice %arg6[%add3A_105, %dma_wait3A_188] : memref<160x128xi32, #tpu.memory_space<vmem>> -> memref<1x128xi32, #tpu.memory_space<vmem>>
        %dma_wait3A_190 = tpu.memref_squeeze %dma_wait3A_189 : memref<1x128xi32, #tpu.memory_space<vmem>> -> memref<128xi32, #tpu.memory_space<vmem>>
        %dma_wait3A_191 = arith.constant 0 : i32
        %dma_wait3A_192 = tpu.memref_slice %arg10[%dma_wait3A_191] : memref<262144xf32, #tpu.memory_space<vmem_shared>> -> memref<262144xf32, #tpu.memory_space<vmem_shared>>
        tpu.wait_indirect_dma semaphore(%arg11 : memref<!tpu.dma_semaphore, #tpu.memory_space<semaphore_mem>>) src(%dma_wait3A_187 : memref<128xf32, #tpu.memory_space<vmem>>) dst(%dma_wait3A_192 : memref<262144xf32, #tpu.memory_space<vmem_shared>>)
        %dma_wait3A_193 = arith.constant 0 : i32
        %dma_wait3A_194 = tpu.memref_slice %arg7[%add3A_115, %dma_wait3A_193] : memref<160x128xf32, #tpu.memory_space<vmem>> -> memref<1x128xf32, #tpu.memory_space<vmem>>
        %dma_wait3A_195 = tpu.memref_squeeze %dma_wait3A_194 : memref<1x128xf32, #tpu.memory_space<vmem>> -> memref<128xf32, #tpu.memory_space<vmem>>
        %dma_wait3A_196 = arith.constant 0 : i32
        %dma_wait3A_197 = tpu.memref_slice %arg6[%add3A_117, %dma_wait3A_196] : memref<160x128xi32, #tpu.memory_space<vmem>> -> memref<1x128xi32, #tpu.memory_space<vmem>>
        %dma_wait3A_198 = tpu.memref_squeeze %dma_wait3A_197 : memref<1x128xi32, #tpu.memory_space<vmem>> -> memref<128xi32, #tpu.memory_space<vmem>>
        %dma_wait3A_199 = arith.constant 0 : i32
        %dma_wait3A_200 = tpu.memref_slice %arg10[%dma_wait3A_199] : memref<262144xf32, #tpu.memory_space<vmem_shared>> -> memref<262144xf32, #tpu.memory_space<vmem_shared>>
        tpu.wait_indirect_dma semaphore(%arg11 : memref<!tpu.dma_semaphore, #tpu.memory_space<semaphore_mem>>) src(%dma_wait3A_195 : memref<128xf32, #tpu.memory_space<vmem>>) dst(%dma_wait3A_200 : memref<262144xf32, #tpu.memory_space<vmem_shared>>)
        %dma_wait3A_201 = arith.constant 0 : i32
        %dma_wait3A_202 = tpu.memref_slice %arg7[%add3A_127, %dma_wait3A_201] : memref<160x128xf32, #tpu.memory_space<vmem>> -> memref<1x128xf32, #tpu.memory_space<vmem>>
        %dma_wait3A_203 = tpu.memref_squeeze %dma_wait3A_202 : memref<1x128xf32, #tpu.memory_space<vmem>> -> memref<128xf32, #tpu.memory_space<vmem>>
        %dma_wait3A_204 = arith.constant 0 : i32
        %dma_wait3A_205 = tpu.memref_slice %arg6[%add3A_129, %dma_wait3A_204] : memref<160x128xi32, #tpu.memory_space<vmem>> -> memref<1x128xi32, #tpu.memory_space<vmem>>
        %dma_wait3A_206 = tpu.memref_squeeze %dma_wait3A_205 : memref<1x128xi32, #tpu.memory_space<vmem>> -> memref<128xi32, #tpu.memory_space<vmem>>
        %dma_wait3A_207 = arith.constant 0 : i32
        %dma_wait3A_208 = tpu.memref_slice %arg10[%dma_wait3A_207] : memref<262144xf32, #tpu.memory_space<vmem_shared>> -> memref<262144xf32, #tpu.memory_space<vmem_shared>>
        tpu.wait_indirect_dma semaphore(%arg11 : memref<!tpu.dma_semaphore, #tpu.memory_space<semaphore_mem>>) src(%dma_wait3A_203 : memref<128xf32, #tpu.memory_space<vmem>>) dst(%dma_wait3A_208 : memref<262144xf32, #tpu.memory_space<vmem_shared>>)
        %dma_wait3A_209 = arith.constant 0 : i32
        %dma_wait3A_210 = tpu.memref_slice %arg7[%add3A_139, %dma_wait3A_209] : memref<160x128xf32, #tpu.memory_space<vmem>> -> memref<1x128xf32, #tpu.memory_space<vmem>>
        %dma_wait3A_211 = tpu.memref_squeeze %dma_wait3A_210 : memref<1x128xf32, #tpu.memory_space<vmem>> -> memref<128xf32, #tpu.memory_space<vmem>>
        %dma_wait3A_212 = arith.constant 0 : i32
        %dma_wait3A_213 = tpu.memref_slice %arg6[%add3A_141, %dma_wait3A_212] : memref<160x128xi32, #tpu.memory_space<vmem>> -> memref<1x128xi32, #tpu.memory_space<vmem>>
        %dma_wait3A_214 = tpu.memref_squeeze %dma_wait3A_213 : memref<1x128xi32, #tpu.memory_space<vmem>> -> memref<128xi32, #tpu.memory_space<vmem>>
        %dma_wait3A_215 = arith.constant 0 : i32
        %dma_wait3A_216 = tpu.memref_slice %arg10[%dma_wait3A_215] : memref<262144xf32, #tpu.memory_space<vmem_shared>> -> memref<262144xf32, #tpu.memory_space<vmem_shared>>
        tpu.wait_indirect_dma semaphore(%arg11 : memref<!tpu.dma_semaphore, #tpu.memory_space<semaphore_mem>>) src(%dma_wait3A_211 : memref<128xf32, #tpu.memory_space<vmem>>) dst(%dma_wait3A_216 : memref<262144xf32, #tpu.memory_space<vmem_shared>>)
        %dma_wait3A_217 = arith.constant 0 : i32
        %dma_wait3A_218 = tpu.memref_slice %arg7[%add3A_151, %dma_wait3A_217] : memref<160x128xf32, #tpu.memory_space<vmem>> -> memref<1x128xf32, #tpu.memory_space<vmem>>
        %dma_wait3A_219 = tpu.memref_squeeze %dma_wait3A_218 : memref<1x128xf32, #tpu.memory_space<vmem>> -> memref<128xf32, #tpu.memory_space<vmem>>
        %dma_wait3A_220 = arith.constant 0 : i32
        %dma_wait3A_221 = tpu.memref_slice %arg6[%add3A_153, %dma_wait3A_220] : memref<160x128xi32, #tpu.memory_space<vmem>> -> memref<1x128xi32, #tpu.memory_space<vmem>>
        %dma_wait3A_222 = tpu.memref_squeeze %dma_wait3A_221 : memref<1x128xi32, #tpu.memory_space<vmem>> -> memref<128xi32, #tpu.memory_space<vmem>>
        %dma_wait3A_223 = arith.constant 0 : i32
        %dma_wait3A_224 = tpu.memref_slice %arg10[%dma_wait3A_223] : memref<262144xf32, #tpu.memory_space<vmem_shared>> -> memref<262144xf32, #tpu.memory_space<vmem_shared>>
        tpu.wait_indirect_dma semaphore(%arg11 : memref<!tpu.dma_semaphore, #tpu.memory_space<semaphore_mem>>) src(%dma_wait3A_219 : memref<128xf32, #tpu.memory_space<vmem>>) dst(%dma_wait3A_224 : memref<262144xf32, #tpu.memory_space<vmem_shared>>)
      }
      %while3A_29 = arith.constant 1 : i32
      scf.for %while3A_65 = %while3A_27 to %while3A_23 step %while3A_29  : i32 {
        %mul3A_66 = arith.constant 8 : i32
        %mul3A_67 = arith.muli %while3A_65, %mul3A_66 : i32
        %add3A = arith.constant 0 : i32
        %add3A_68 = arith.addi %mul3A_67, %add3A : i32
        %add3A_69 = arith.constant 0 : i32
        %add3A_70 = arith.addi %mul3A_67, %add3A_69 : i32
        %dma_start3A = arith.constant 0 : i32
        %dma_start3A_71 = tpu.memref_slice %arg7[%add3A_68, %dma_start3A] : memref<160x128xf32, #tpu.memory_space<vmem>> -> memref<1x128xf32, #tpu.memory_space<vmem>>
        %dma_start3A_72 = tpu.memref_squeeze %dma_start3A_71 : memref<1x128xf32, #tpu.memory_space<vmem>> -> memref<128xf32, #tpu.memory_space<vmem>>
        %dma_start3A_73 = arith.constant 0 : i32
        %dma_start3A_74 = tpu.memref_slice %arg6[%add3A_70, %dma_start3A_73] : memref<160x128xi32, #tpu.memory_space<vmem>> -> memref<1x128xi32, #tpu.memory_space<vmem>>
        %dma_start3A_75 = tpu.memref_squeeze %dma_start3A_74 : memref<1x128xi32, #tpu.memory_space<vmem>> -> memref<128xi32, #tpu.memory_space<vmem>>
        %dma_start3A_76 = arith.constant 0 : i32
        %dma_start3A_77 = tpu.memref_slice %arg10[%dma_start3A_76] : memref<262144xf32, #tpu.memory_space<vmem_shared>> -> memref<262144xf32, #tpu.memory_space<vmem_shared>>
        tpu.enqueue_indirect_dma source(%dma_start3A_72 : memref<128xf32, #tpu.memory_space<vmem>>) target(%dma_start3A_77 : memref<262144xf32, #tpu.memory_space<vmem_shared>>) offsets(%dma_start3A_75 : memref<128xi32, #tpu.memory_space<vmem>>) semaphore(%arg11 : memref<!tpu.dma_semaphore, #tpu.memory_space<semaphore_mem>>) {add = true}
        %add3A_78 = arith.constant 1 : i32
        %add3A_79 = arith.addi %mul3A_67, %add3A_78 : i32
        %add3A_80 = arith.constant 1 : i32
        %add3A_81 = arith.addi %mul3A_67, %add3A_80 : i32
        %dma_start3A_82 = arith.constant 0 : i32
        %dma_start3A_83 = tpu.memref_slice %arg7[%add3A_79, %dma_start3A_82] : memref<160x128xf32, #tpu.memory_space<vmem>> -> memref<1x128xf32, #tpu.memory_space<vmem>>
        %dma_start3A_84 = tpu.memref_squeeze %dma_start3A_83 : memref<1x128xf32, #tpu.memory_space<vmem>> -> memref<128xf32, #tpu.memory_space<vmem>>
        %dma_start3A_85 = arith.constant 0 : i32
        %dma_start3A_86 = tpu.memref_slice %arg6[%add3A_81, %dma_start3A_85] : memref<160x128xi32, #tpu.memory_space<vmem>> -> memref<1x128xi32, #tpu.memory_space<vmem>>
        %dma_start3A_87 = tpu.memref_squeeze %dma_start3A_86 : memref<1x128xi32, #tpu.memory_space<vmem>> -> memref<128xi32, #tpu.memory_space<vmem>>
        %dma_start3A_88 = arith.constant 0 : i32
        %dma_start3A_89 = tpu.memref_slice %arg10[%dma_start3A_88] : memref<262144xf32, #tpu.memory_space<vmem_shared>> -> memref<262144xf32, #tpu.memory_space<vmem_shared>>
        tpu.enqueue_indirect_dma source(%dma_start3A_84 : memref<128xf32, #tpu.memory_space<vmem>>) target(%dma_start3A_89 : memref<262144xf32, #tpu.memory_space<vmem_shared>>) offsets(%dma_start3A_87 : memref<128xi32, #tpu.memory_space<vmem>>) semaphore(%arg11 : memref<!tpu.dma_semaphore, #tpu.memory_space<semaphore_mem>>) {add = true}
        %add3A_90 = arith.constant 2 : i32
        %add3A_91 = arith.addi %mul3A_67, %add3A_90 : i32
        %add3A_92 = arith.constant 2 : i32
        %add3A_93 = arith.addi %mul3A_67, %add3A_92 : i32
        %dma_start3A_94 = arith.constant 0 : i32
        %dma_start3A_95 = tpu.memref_slice %arg7[%add3A_91, %dma_start3A_94] : memref<160x128xf32, #tpu.memory_space<vmem>> -> memref<1x128xf32, #tpu.memory_space<vmem>>
        %dma_start3A_96 = tpu.memref_squeeze %dma_start3A_95 : memref<1x128xf32, #tpu.memory_space<vmem>> -> memref<128xf32, #tpu.memory_space<vmem>>
        %dma_start3A_97 = arith.constant 0 : i32
        %dma_start3A_98 = tpu.memref_slice %arg6[%add3A_93, %dma_start3A_97] : memref<160x128xi32, #tpu.memory_space<vmem>> -> memref<1x128xi32, #tpu.memory_space<vmem>>
        %dma_start3A_99 = tpu.memref_squeeze %dma_start3A_98 : memref<1x128xi32, #tpu.memory_space<vmem>> -> memref<128xi32, #tpu.memory_space<vmem>>
        %dma_start3A_100 = arith.constant 0 : i32
        %dma_start3A_101 = tpu.memref_slice %arg10[%dma_start3A_100] : memref<262144xf32, #tpu.memory_space<vmem_shared>> -> memref<262144xf32, #tpu.memory_space<vmem_shared>>
        tpu.enqueue_indirect_dma source(%dma_start3A_96 : memref<128xf32, #tpu.memory_space<vmem>>) target(%dma_start3A_101 : memref<262144xf32, #tpu.memory_space<vmem_shared>>) offsets(%dma_start3A_99 : memref<128xi32, #tpu.memory_space<vmem>>) semaphore(%arg11 : memref<!tpu.dma_semaphore, #tpu.memory_space<semaphore_mem>>) {add = true}
        %add3A_102 = arith.constant 3 : i32
        %add3A_103 = arith.addi %mul3A_67, %add3A_102 : i32
        %add3A_104 = arith.constant 3 : i32
        %add3A_105 = arith.addi %mul3A_67, %add3A_104 : i32
        %dma_start3A_106 = arith.constant 0 : i32
        %dma_start3A_107 = tpu.memref_slice %arg7[%add3A_103, %dma_start3A_106] : memref<160x128xf32, #tpu.memory_space<vmem>> -> memref<1x128xf32, #tpu.memory_space<vmem>>
        %dma_start3A_108 = tpu.memref_squeeze %dma_start3A_107 : memref<1x128xf32, #tpu.memory_space<vmem>> -> memref<128xf32, #tpu.memory_space<vmem>>
        %dma_start3A_109 = arith.constant 0 : i32
        %dma_start3A_110 = tpu.memref_slice %arg6[%add3A_105, %dma_start3A_109] : memref<160x128xi32, #tpu.memory_space<vmem>> -> memref<1x128xi32, #tpu.memory_space<vmem>>
        %dma_start3A_111 = tpu.memref_squeeze %dma_start3A_110 : memref<1x128xi32, #tpu.memory_space<vmem>> -> memref<128xi32, #tpu.memory_space<vmem>>
        %dma_start3A_112 = arith.constant 0 : i32
        %dma_start3A_113 = tpu.memref_slice %arg10[%dma_start3A_112] : memref<262144xf32, #tpu.memory_space<vmem_shared>> -> memref<262144xf32, #tpu.memory_space<vmem_shared>>
        tpu.enqueue_indirect_dma source(%dma_start3A_108 : memref<128xf32, #tpu.memory_space<vmem>>) target(%dma_start3A_113 : memref<262144xf32, #tpu.memory_space<vmem_shared>>) offsets(%dma_start3A_111 : memref<128xi32, #tpu.memory_space<vmem>>) semaphore(%arg11 : memref<!tpu.dma_semaphore, #tpu.memory_space<semaphore_mem>>) {add = true}
        %add3A_114 = arith.constant 4 : i32
        %add3A_115 = arith.addi %mul3A_67, %add3A_114 : i32
        %add3A_116 = arith.constant 4 : i32
        %add3A_117 = arith.addi %mul3A_67, %add3A_116 : i32
        %dma_start3A_118 = arith.constant 0 : i32
        %dma_start3A_119 = tpu.memref_slice %arg7[%add3A_115, %dma_start3A_118] : memref<160x128xf32, #tpu.memory_space<vmem>> -> memref<1x128xf32, #tpu.memory_space<vmem>>
        %dma_start3A_120 = tpu.memref_squeeze %dma_start3A_119 : memref<1x128xf32, #tpu.memory_space<vmem>> -> memref<128xf32, #tpu.memory_space<vmem>>
        %dma_start3A_121 = arith.constant 0 : i32
        %dma_start3A_122 = tpu.memref_slice %arg6[%add3A_117, %dma_start3A_121] : memref<160x128xi32, #tpu.memory_space<vmem>> -> memref<1x128xi32, #tpu.memory_space<vmem>>
        %dma_start3A_123 = tpu.memref_squeeze %dma_start3A_122 : memref<1x128xi32, #tpu.memory_space<vmem>> -> memref<128xi32, #tpu.memory_space<vmem>>
        %dma_start3A_124 = arith.constant 0 : i32
        %dma_start3A_125 = tpu.memref_slice %arg10[%dma_start3A_124] : memref<262144xf32, #tpu.memory_space<vmem_shared>> -> memref<262144xf32, #tpu.memory_space<vmem_shared>>
        tpu.enqueue_indirect_dma source(%dma_start3A_120 : memref<128xf32, #tpu.memory_space<vmem>>) target(%dma_start3A_125 : memref<262144xf32, #tpu.memory_space<vmem_shared>>) offsets(%dma_start3A_123 : memref<128xi32, #tpu.memory_space<vmem>>) semaphore(%arg11 : memref<!tpu.dma_semaphore, #tpu.memory_space<semaphore_mem>>) {add = true}
        %add3A_126 = arith.constant 5 : i32
        %add3A_127 = arith.addi %mul3A_67, %add3A_126 : i32
        %add3A_128 = arith.constant 5 : i32
        %add3A_129 = arith.addi %mul3A_67, %add3A_128 : i32
        %dma_start3A_130 = arith.constant 0 : i32
        %dma_start3A_131 = tpu.memref_slice %arg7[%add3A_127, %dma_start3A_130] : memref<160x128xf32, #tpu.memory_space<vmem>> -> memref<1x128xf32, #tpu.memory_space<vmem>>
        %dma_start3A_132 = tpu.memref_squeeze %dma_start3A_131 : memref<1x128xf32, #tpu.memory_space<vmem>> -> memref<128xf32, #tpu.memory_space<vmem>>
        %dma_start3A_133 = arith.constant 0 : i32
        %dma_start3A_134 = tpu.memref_slice %arg6[%add3A_129, %dma_start3A_133] : memref<160x128xi32, #tpu.memory_space<vmem>> -> memref<1x128xi32, #tpu.memory_space<vmem>>
        %dma_start3A_135 = tpu.memref_squeeze %dma_start3A_134 : memref<1x128xi32, #tpu.memory_space<vmem>> -> memref<128xi32, #tpu.memory_space<vmem>>
        %dma_start3A_136 = arith.constant 0 : i32
        %dma_start3A_137 = tpu.memref_slice %arg10[%dma_start3A_136] : memref<262144xf32, #tpu.memory_space<vmem_shared>> -> memref<262144xf32, #tpu.memory_space<vmem_shared>>
        tpu.enqueue_indirect_dma source(%dma_start3A_132 : memref<128xf32, #tpu.memory_space<vmem>>) target(%dma_start3A_137 : memref<262144xf32, #tpu.memory_space<vmem_shared>>) offsets(%dma_start3A_135 : memref<128xi32, #tpu.memory_space<vmem>>) semaphore(%arg11 : memref<!tpu.dma_semaphore, #tpu.memory_space<semaphore_mem>>) {add = true}
        %add3A_138 = arith.constant 6 : i32
        %add3A_139 = arith.addi %mul3A_67, %add3A_138 : i32
        %add3A_140 = arith.constant 6 : i32
        %add3A_141 = arith.addi %mul3A_67, %add3A_140 : i32
        %dma_start3A_142 = arith.constant 0 : i32
        %dma_start3A_143 = tpu.memref_slice %arg7[%add3A_139, %dma_start3A_142] : memref<160x128xf32, #tpu.memory_space<vmem>> -> memref<1x128xf32, #tpu.memory_space<vmem>>
        %dma_start3A_144 = tpu.memref_squeeze %dma_start3A_143 : memref<1x128xf32, #tpu.memory_space<vmem>> -> memref<128xf32, #tpu.memory_space<vmem>>
        %dma_start3A_145 = arith.constant 0 : i32
        %dma_start3A_146 = tpu.memref_slice %arg6[%add3A_141, %dma_start3A_145] : memref<160x128xi32, #tpu.memory_space<vmem>> -> memref<1x128xi32, #tpu.memory_space<vmem>>
        %dma_start3A_147 = tpu.memref_squeeze %dma_start3A_146 : memref<1x128xi32, #tpu.memory_space<vmem>> -> memref<128xi32, #tpu.memory_space<vmem>>
        %dma_start3A_148 = arith.constant 0 : i32
        %dma_start3A_149 = tpu.memref_slice %arg10[%dma_start3A_148] : memref<262144xf32, #tpu.memory_space<vmem_shared>> -> memref<262144xf32, #tpu.memory_space<vmem_shared>>
        tpu.enqueue_indirect_dma source(%dma_start3A_144 : memref<128xf32, #tpu.memory_space<vmem>>) target(%dma_start3A_149 : memref<262144xf32, #tpu.memory_space<vmem_shared>>) offsets(%dma_start3A_147 : memref<128xi32, #tpu.memory_space<vmem>>) semaphore(%arg11 : memref<!tpu.dma_semaphore, #tpu.memory_space<semaphore_mem>>) {add = true}
        %add3A_150 = arith.constant 7 : i32
        %add3A_151 = arith.addi %mul3A_67, %add3A_150 : i32
        %add3A_152 = arith.constant 7 : i32
        %add3A_153 = arith.addi %mul3A_67, %add3A_152 : i32
        %dma_start3A_154 = arith.constant 0 : i32
        %dma_start3A_155 = tpu.memref_slice %arg7[%add3A_151, %dma_start3A_154] : memref<160x128xf32, #tpu.memory_space<vmem>> -> memref<1x128xf32, #tpu.memory_space<vmem>>
        %dma_start3A_156 = tpu.memref_squeeze %dma_start3A_155 : memref<1x128xf32, #tpu.memory_space<vmem>> -> memref<128xf32, #tpu.memory_space<vmem>>
        %dma_start3A_157 = arith.constant 0 : i32
        %dma_start3A_158 = tpu.memref_slice %arg6[%add3A_153, %dma_start3A_157] : memref<160x128xi32, #tpu.memory_space<vmem>> -> memref<1x128xi32, #tpu.memory_space<vmem>>
        %dma_start3A_159 = tpu.memref_squeeze %dma_start3A_158 : memref<1x128xi32, #tpu.memory_space<vmem>> -> memref<128xi32, #tpu.memory_space<vmem>>
        %dma_start3A_160 = arith.constant 0 : i32
        %dma_start3A_161 = tpu.memref_slice %arg10[%dma_start3A_160] : memref<262144xf32, #tpu.memory_space<vmem_shared>> -> memref<262144xf32, #tpu.memory_space<vmem_shared>>
        tpu.enqueue_indirect_dma source(%dma_start3A_156 : memref<128xf32, #tpu.memory_space<vmem>>) target(%dma_start3A_161 : memref<262144xf32, #tpu.memory_space<vmem_shared>>) offsets(%dma_start3A_159 : memref<128xi32, #tpu.memory_space<vmem>>) semaphore(%arg11 : memref<!tpu.dma_semaphore, #tpu.memory_space<semaphore_mem>>) {add = true}
        %dma_wait3A = arith.constant 0 : i32
        %dma_wait3A_162 = tpu.memref_slice %arg7[%add3A_68, %dma_wait3A] : memref<160x128xf32, #tpu.memory_space<vmem>> -> memref<1x128xf32, #tpu.memory_space<vmem>>
        %dma_wait3A_163 = tpu.memref_squeeze %dma_wait3A_162 : memref<1x128xf32, #tpu.memory_space<vmem>> -> memref<128xf32, #tpu.memory_space<vmem>>
        %dma_wait3A_164 = arith.constant 0 : i32
        %dma_wait3A_165 = tpu.memref_slice %arg6[%add3A_70, %dma_wait3A_164] : memref<160x128xi32, #tpu.memory_space<vmem>> -> memref<1x128xi32, #tpu.memory_space<vmem>>
        %dma_wait3A_166 = tpu.memref_squeeze %dma_wait3A_165 : memref<1x128xi32, #tpu.memory_space<vmem>> -> memref<128xi32, #tpu.memory_space<vmem>>
        %dma_wait3A_167 = arith.constant 0 : i32
        %dma_wait3A_168 = tpu.memref_slice %arg10[%dma_wait3A_167] : memref<262144xf32, #tpu.memory_space<vmem_shared>> -> memref<262144xf32, #tpu.memory_space<vmem_shared>>
        tpu.wait_indirect_dma semaphore(%arg11 : memref<!tpu.dma_semaphore, #tpu.memory_space<semaphore_mem>>) src(%dma_wait3A_163 : memref<128xf32, #tpu.memory_space<vmem>>) dst(%dma_wait3A_168 : memref<262144xf32, #tpu.memory_space<vmem_shared>>)
        %dma_wait3A_169 = arith.constant 0 : i32
        %dma_wait3A_170 = tpu.memref_slice %arg7[%add3A_79, %dma_wait3A_169] : memref<160x128xf32, #tpu.memory_space<vmem>> -> memref<1x128xf32, #tpu.memory_space<vmem>>
        %dma_wait3A_171 = tpu.memref_squeeze %dma_wait3A_170 : memref<1x128xf32, #tpu.memory_space<vmem>> -> memref<128xf32, #tpu.memory_space<vmem>>
        %dma_wait3A_172 = arith.constant 0 : i32
        %dma_wait3A_173 = tpu.memref_slice %arg6[%add3A_81, %dma_wait3A_172] : memref<160x128xi32, #tpu.memory_space<vmem>> -> memref<1x128xi32, #tpu.memory_space<vmem>>
        %dma_wait3A_174 = tpu.memref_squeeze %dma_wait3A_173 : memref<1x128xi32, #tpu.memory_space<vmem>> -> memref<128xi32, #tpu.memory_space<vmem>>
        %dma_wait3A_175 = arith.constant 0 : i32
        %dma_wait3A_176 = tpu.memref_slice %arg10[%dma_wait3A_175] : memref<262144xf32, #tpu.memory_space<vmem_shared>> -> memref<262144xf32, #tpu.memory_space<vmem_shared>>
        tpu.wait_indirect_dma semaphore(%arg11 : memref<!tpu.dma_semaphore, #tpu.memory_space<semaphore_mem>>) src(%dma_wait3A_171 : memref<128xf32, #tpu.memory_space<vmem>>) dst(%dma_wait3A_176 : memref<262144xf32, #tpu.memory_space<vmem_shared>>)
        %dma_wait3A_177 = arith.constant 0 : i32
        %dma_wait3A_178 = tpu.memref_slice %arg7[%add3A_91, %dma_wait3A_177] : memref<160x128xf32, #tpu.memory_space<vmem>> -> memref<1x128xf32, #tpu.memory_space<vmem>>
        %dma_wait3A_179 = tpu.memref_squeeze %dma_wait3A_178 : memref<1x128xf32, #tpu.memory_space<vmem>> -> memref<128xf32, #tpu.memory_space<vmem>>
        %dma_wait3A_180 = arith.constant 0 : i32
        %dma_wait3A_181 = tpu.memref_slice %arg6[%add3A_93, %dma_wait3A_180] : memref<160x128xi32, #tpu.memory_space<vmem>> -> memref<1x128xi32, #tpu.memory_space<vmem>>
        %dma_wait3A_182 = tpu.memref_squeeze %dma_wait3A_181 : memref<1x128xi32, #tpu.memory_space<vmem>> -> memref<128xi32, #tpu.memory_space<vmem>>
        %dma_wait3A_183 = arith.constant 0 : i32
        %dma_wait3A_184 = tpu.memref_slice %arg10[%dma_wait3A_183] : memref<262144xf32, #tpu.memory_space<vmem_shared>> -> memref<262144xf32, #tpu.memory_space<vmem_shared>>
        tpu.wait_indirect_dma semaphore(%arg11 : memref<!tpu.dma_semaphore, #tpu.memory_space<semaphore_mem>>) src(%dma_wait3A_179 : memref<128xf32, #tpu.memory_space<vmem>>) dst(%dma_wait3A_184 : memref<262144xf32, #tpu.memory_space<vmem_shared>>)
        %dma_wait3A_185 = arith.constant 0 : i32
        %dma_wait3A_186 = tpu.memref_slice %arg7[%add3A_103, %dma_wait3A_185] : memref<160x128xf32, #tpu.memory_space<vmem>> -> memref<1x128xf32, #tpu.memory_space<vmem>>
        %dma_wait3A_187 = tpu.memref_squeeze %dma_wait3A_186 : memref<1x128xf32, #tpu.memory_space<vmem>> -> memref<128xf32, #tpu.memory_space<vmem>>
        %dma_wait3A_188 = arith.constant 0 : i32
        %dma_wait3A_189 = tpu.memref_slice %arg6[%add3A_105, %dma_wait3A_188] : memref<160x128xi32, #tpu.memory_space<vmem>> -> memref<1x128xi32, #tpu.memory_space<vmem>>
        %dma_wait3A_190 = tpu.memref_squeeze %dma_wait3A_189 : memref<1x128xi32, #tpu.memory_space<vmem>> -> memref<128xi32, #tpu.memory_space<vmem>>
        %dma_wait3A_191 = arith.constant 0 : i32
        %dma_wait3A_192 = tpu.memref_slice %arg10[%dma_wait3A_191] : memref<262144xf32, #tpu.memory_space<vmem_shared>> -> memref<262144xf32, #tpu.memory_space<vmem_shared>>
        tpu.wait_indirect_dma semaphore(%arg11 : memref<!tpu.dma_semaphore, #tpu.memory_space<semaphore_mem>>) src(%dma_wait3A_187 : memref<128xf32, #tpu.memory_space<vmem>>) dst(%dma_wait3A_192 : memref<262144xf32, #tpu.memory_space<vmem_shared>>)
        %dma_wait3A_193 = arith.constant 0 : i32
        %dma_wait3A_194 = tpu.memref_slice %arg7[%add3A_115, %dma_wait3A_193] : memref<160x128xf32, #tpu.memory_space<vmem>> -> memref<1x128xf32, #tpu.memory_space<vmem>>
        %dma_wait3A_195 = tpu.memref_squeeze %dma_wait3A_194 : memref<1x128xf32, #tpu.memory_space<vmem>> -> memref<128xf32, #tpu.memory_space<vmem>>
        %dma_wait3A_196 = arith.constant 0 : i32
        %dma_wait3A_197 = tpu.memref_slice %arg6[%add3A_117, %dma_wait3A_196] : memref<160x128xi32, #tpu.memory_space<vmem>> -> memref<1x128xi32, #tpu.memory_space<vmem>>
        %dma_wait3A_198 = tpu.memref_squeeze %dma_wait3A_197 : memref<1x128xi32, #tpu.memory_space<vmem>> -> memref<128xi32, #tpu.memory_space<vmem>>
        %dma_wait3A_199 = arith.constant 0 : i32
        %dma_wait3A_200 = tpu.memref_slice %arg10[%dma_wait3A_199] : memref<262144xf32, #tpu.memory_space<vmem_shared>> -> memref<262144xf32, #tpu.memory_space<vmem_shared>>
        tpu.wait_indirect_dma semaphore(%arg11 : memref<!tpu.dma_semaphore, #tpu.memory_space<semaphore_mem>>) src(%dma_wait3A_195 : memref<128xf32, #tpu.memory_space<vmem>>) dst(%dma_wait3A_200 : memref<262144xf32, #tpu.memory_space<vmem_shared>>)
        %dma_wait3A_201 = arith.constant 0 : i32
        %dma_wait3A_202 = tpu.memref_slice %arg7[%add3A_127, %dma_wait3A_201] : memref<160x128xf32, #tpu.memory_space<vmem>> -> memref<1x128xf32, #tpu.memory_space<vmem>>
        %dma_wait3A_203 = tpu.memref_squeeze %dma_wait3A_202 : memref<1x128xf32, #tpu.memory_space<vmem>> -> memref<128xf32, #tpu.memory_space<vmem>>
        %dma_wait3A_204 = arith.constant 0 : i32
        %dma_wait3A_205 = tpu.memref_slice %arg6[%add3A_129, %dma_wait3A_204] : memref<160x128xi32, #tpu.memory_space<vmem>> -> memref<1x128xi32, #tpu.memory_space<vmem>>
        %dma_wait3A_206 = tpu.memref_squeeze %dma_wait3A_205 : memref<1x128xi32, #tpu.memory_space<vmem>> -> memref<128xi32, #tpu.memory_space<vmem>>
        %dma_wait3A_207 = arith.constant 0 : i32
        %dma_wait3A_208 = tpu.memref_slice %arg10[%dma_wait3A_207] : memref<262144xf32, #tpu.memory_space<vmem_shared>> -> memref<262144xf32, #tpu.memory_space<vmem_shared>>
        tpu.wait_indirect_dma semaphore(%arg11 : memref<!tpu.dma_semaphore, #tpu.memory_space<semaphore_mem>>) src(%dma_wait3A_203 : memref<128xf32, #tpu.memory_space<vmem>>) dst(%dma_wait3A_208 : memref<262144xf32, #tpu.memory_space<vmem_shared>>)
        %dma_wait3A_209 = arith.constant 0 : i32
        %dma_wait3A_210 = tpu.memref_slice %arg7[%add3A_139, %dma_wait3A_209] : memref<160x128xf32, #tpu.memory_space<vmem>> -> memref<1x128xf32, #tpu.memory_space<vmem>>
        %dma_wait3A_211 = tpu.memref_squeeze %dma_wait3A_210 : memref<1x128xf32, #tpu.memory_space<vmem>> -> memref<128xf32, #tpu.memory_space<vmem>>
        %dma_wait3A_212 = arith.constant 0 : i32
        %dma_wait3A_213 = tpu.memref_slice %arg6[%add3A_141, %dma_wait3A_212] : memref<160x128xi32, #tpu.memory_space<vmem>> -> memref<1x128xi32, #tpu.memory_space<vmem>>
        %dma_wait3A_214 = tpu.memref_squeeze %dma_wait3A_213 : memref<1x128xi32, #tpu.memory_space<vmem>> -> memref<128xi32, #tpu.memory_space<vmem>>
        %dma_wait3A_215 = arith.constant 0 : i32
        %dma_wait3A_216 = tpu.memref_slice %arg10[%dma_wait3A_215] : memref<262144xf32, #tpu.memory_space<vmem_shared>> -> memref<262144xf32, #tpu.memory_space<vmem_shared>>
        tpu.wait_indirect_dma semaphore(%arg11 : memref<!tpu.dma_semaphore, #tpu.memory_space<semaphore_mem>>) src(%dma_wait3A_211 : memref<128xf32, #tpu.memory_space<vmem>>) dst(%dma_wait3A_216 : memref<262144xf32, #tpu.memory_space<vmem_shared>>)
        %dma_wait3A_217 = arith.constant 0 : i32
        %dma_wait3A_218 = tpu.memref_slice %arg7[%add3A_151, %dma_wait3A_217] : memref<160x128xf32, #tpu.memory_space<vmem>> -> memref<1x128xf32, #tpu.memory_space<vmem>>
        %dma_wait3A_219 = tpu.memref_squeeze %dma_wait3A_218 : memref<1x128xf32, #tpu.memory_space<vmem>> -> memref<128xf32, #tpu.memory_space<vmem>>
        %dma_wait3A_220 = arith.constant 0 : i32
        %dma_wait3A_221 = tpu.memref_slice %arg6[%add3A_153, %dma_wait3A_220] : memref<160x128xi32, #tpu.memory_space<vmem>> -> memref<1x128xi32, #tpu.memory_space<vmem>>
        %dma_wait3A_222 = tpu.memref_squeeze %dma_wait3A_221 : memref<1x128xi32, #tpu.memory_space<vmem>> -> memref<128xi32, #tpu.memory_space<vmem>>
        %dma_wait3A_223 = arith.constant 0 : i32
        %dma_wait3A_224 = tpu.memref_slice %arg10[%dma_wait3A_223] : memref<262144xf32, #tpu.memory_space<vmem_shared>> -> memref<262144xf32, #tpu.memory_space<vmem_shared>>
        tpu.wait_indirect_dma semaphore(%arg11 : memref<!tpu.dma_semaphore, #tpu.memory_space<semaphore_mem>>) src(%dma_wait3A_219 : memref<128xf32, #tpu.memory_space<vmem>>) dst(%dma_wait3A_224 : memref<262144xf32, #tpu.memory_space<vmem_shared>>)
      }
      %eq3A_30 = arith.constant 15 : i32
      %eq3A_31 = arith.cmpi eq, %arg1, %eq3A_30 : i32
      %convert_element_type3A_32 = arith.extui %eq3A_31 : i1 to i32
      %cond3A_33 = arith.constant 0 : i32
      %cond3A_34 = arith.cmpi ne, %convert_element_type3A_32, %cond3A_33 : i32
      scf.if %cond3A_34 {
        %dma_start3A = arith.constant 96 : i32
        %dma_start3A_65 = arith.constant 96 : i32
        %dma_start3A_66 = arith.constant 0 : i32
        %dma_start3A_67 = tpu.memref_slice %arg7[%dma_start3A, %dma_start3A_66] : memref<160x128xf32, #tpu.memory_space<vmem>> -> memref<1x128xf32, #tpu.memory_space<vmem>>
        %dma_start3A_68 = tpu.memref_squeeze %dma_start3A_67 : memref<1x128xf32, #tpu.memory_space<vmem>> -> memref<128xf32, #tpu.memory_space<vmem>>
        %dma_start3A_69 = arith.constant 0 : i32
        %dma_start3A_70 = tpu.memref_slice %arg6[%dma_start3A_65, %dma_start3A_69] : memref<160x128xi32, #tpu.memory_space<vmem>> -> memref<1x128xi32, #tpu.memory_space<vmem>>
        %dma_start3A_71 = tpu.memref_squeeze %dma_start3A_70 : memref<1x128xi32, #tpu.memory_space<vmem>> -> memref<128xi32, #tpu.memory_space<vmem>>
        %dma_start3A_72 = arith.constant 0 : i32
        %dma_start3A_73 = tpu.memref_slice %arg10[%dma_start3A_72] : memref<262144xf32, #tpu.memory_space<vmem_shared>> -> memref<262144xf32, #tpu.memory_space<vmem_shared>>
        tpu.enqueue_indirect_dma source(%dma_start3A_68 : memref<128xf32, #tpu.memory_space<vmem>>) target(%dma_start3A_73 : memref<262144xf32, #tpu.memory_space<vmem_shared>>) offsets(%dma_start3A_71 : memref<128xi32, #tpu.memory_space<vmem>>) semaphore(%arg11 : memref<!tpu.dma_semaphore, #tpu.memory_space<semaphore_mem>>) {add = true}
        %dma_start3A_74 = arith.constant 97 : i32
        %dma_start3A_75 = arith.constant 97 : i32
        %dma_start3A_76 = arith.constant 0 : i32
        %dma_start3A_77 = tpu.memref_slice %arg7[%dma_start3A_74, %dma_start3A_76] : memref<160x128xf32, #tpu.memory_space<vmem>> -> memref<1x128xf32, #tpu.memory_space<vmem>>
        %dma_start3A_78 = tpu.memref_squeeze %dma_start3A_77 : memref<1x128xf32, #tpu.memory_space<vmem>> -> memref<128xf32, #tpu.memory_space<vmem>>
        %dma_start3A_79 = arith.constant 0 : i32
        %dma_start3A_80 = tpu.memref_slice %arg6[%dma_start3A_75, %dma_start3A_79] : memref<160x128xi32, #tpu.memory_space<vmem>> -> memref<1x128xi32, #tpu.memory_space<vmem>>
        %dma_start3A_81 = tpu.memref_squeeze %dma_start3A_80 : memref<1x128xi32, #tpu.memory_space<vmem>> -> memref<128xi32, #tpu.memory_space<vmem>>
        %dma_start3A_82 = arith.constant 0 : i32
        %dma_start3A_83 = tpu.memref_slice %arg10[%dma_start3A_82] : memref<262144xf32, #tpu.memory_space<vmem_shared>> -> memref<262144xf32, #tpu.memory_space<vmem_shared>>
        tpu.enqueue_indirect_dma source(%dma_start3A_78 : memref<128xf32, #tpu.memory_space<vmem>>) target(%dma_start3A_83 : memref<262144xf32, #tpu.memory_space<vmem_shared>>) offsets(%dma_start3A_81 : memref<128xi32, #tpu.memory_space<vmem>>) semaphore(%arg11 : memref<!tpu.dma_semaphore, #tpu.memory_space<semaphore_mem>>) {add = true}
        %dma_start3A_84 = arith.constant 98 : i32
        %dma_start3A_85 = arith.constant 98 : i32
        %dma_start3A_86 = arith.constant 0 : i32
        %dma_start3A_87 = tpu.memref_slice %arg7[%dma_start3A_84, %dma_start3A_86] : memref<160x128xf32, #tpu.memory_space<vmem>> -> memref<1x128xf32, #tpu.memory_space<vmem>>
        %dma_start3A_88 = tpu.memref_squeeze %dma_start3A_87 : memref<1x128xf32, #tpu.memory_space<vmem>> -> memref<128xf32, #tpu.memory_space<vmem>>
        %dma_start3A_89 = arith.constant 0 : i32
        %dma_start3A_90 = tpu.memref_slice %arg6[%dma_start3A_85, %dma_start3A_89] : memref<160x128xi32, #tpu.memory_space<vmem>> -> memref<1x128xi32, #tpu.memory_space<vmem>>
        %dma_start3A_91 = tpu.memref_squeeze %dma_start3A_90 : memref<1x128xi32, #tpu.memory_space<vmem>> -> memref<128xi32, #tpu.memory_space<vmem>>
        %dma_start3A_92 = arith.constant 0 : i32
        %dma_start3A_93 = tpu.memref_slice %arg10[%dma_start3A_92] : memref<262144xf32, #tpu.memory_space<vmem_shared>> -> memref<262144xf32, #tpu.memory_space<vmem_shared>>
        tpu.enqueue_indirect_dma source(%dma_start3A_88 : memref<128xf32, #tpu.memory_space<vmem>>) target(%dma_start3A_93 : memref<262144xf32, #tpu.memory_space<vmem_shared>>) offsets(%dma_start3A_91 : memref<128xi32, #tpu.memory_space<vmem>>) semaphore(%arg11 : memref<!tpu.dma_semaphore, #tpu.memory_space<semaphore_mem>>) {add = true}
        %dma_start3A_94 = arith.constant 99 : i32
        %dma_start3A_95 = arith.constant 99 : i32
        %dma_start3A_96 = arith.constant 0 : i32
        %dma_start3A_97 = tpu.memref_slice %arg7[%dma_start3A_94, %dma_start3A_96] : memref<160x128xf32, #tpu.memory_space<vmem>> -> memref<1x128xf32, #tpu.memory_space<vmem>>
        %dma_start3A_98 = tpu.memref_squeeze %dma_start3A_97 : memref<1x128xf32, #tpu.memory_space<vmem>> -> memref<128xf32, #tpu.memory_space<vmem>>
        %dma_start3A_99 = arith.constant 0 : i32
        %dma_start3A_100 = tpu.memref_slice %arg6[%dma_start3A_95, %dma_start3A_99] : memref<160x128xi32, #tpu.memory_space<vmem>> -> memref<1x128xi32, #tpu.memory_space<vmem>>
        %dma_start3A_101 = tpu.memref_squeeze %dma_start3A_100 : memref<1x128xi32, #tpu.memory_space<vmem>> -> memref<128xi32, #tpu.memory_space<vmem>>
        %dma_start3A_102 = arith.constant 0 : i32
        %dma_start3A_103 = tpu.memref_slice %arg10[%dma_start3A_102] : memref<262144xf32, #tpu.memory_space<vmem_shared>> -> memref<262144xf32, #tpu.memory_space<vmem_shared>>
        tpu.enqueue_indirect_dma source(%dma_start3A_98 : memref<128xf32, #tpu.memory_space<vmem>>) target(%dma_start3A_103 : memref<262144xf32, #tpu.memory_space<vmem_shared>>) offsets(%dma_start3A_101 : memref<128xi32, #tpu.memory_space<vmem>>) semaphore(%arg11 : memref<!tpu.dma_semaphore, #tpu.memory_space<semaphore_mem>>) {add = true}
        %dma_wait3A = arith.constant 96 : i32
        %dma_wait3A_104 = arith.constant 96 : i32
        %dma_wait3A_105 = arith.constant 0 : i32
        %dma_wait3A_106 = tpu.memref_slice %arg7[%dma_wait3A, %dma_wait3A_105] : memref<160x128xf32, #tpu.memory_space<vmem>> -> memref<1x128xf32, #tpu.memory_space<vmem>>
        %dma_wait3A_107 = tpu.memref_squeeze %dma_wait3A_106 : memref<1x128xf32, #tpu.memory_space<vmem>> -> memref<128xf32, #tpu.memory_space<vmem>>
        %dma_wait3A_108 = arith.constant 0 : i32
        %dma_wait3A_109 = tpu.memref_slice %arg6[%dma_wait3A_104, %dma_wait3A_108] : memref<160x128xi32, #tpu.memory_space<vmem>> -> memref<1x128xi32, #tpu.memory_space<vmem>>
        %dma_wait3A_110 = tpu.memref_squeeze %dma_wait3A_109 : memref<1x128xi32, #tpu.memory_space<vmem>> -> memref<128xi32, #tpu.memory_space<vmem>>
        %dma_wait3A_111 = arith.constant 0 : i32
        %dma_wait3A_112 = tpu.memref_slice %arg10[%dma_wait3A_111] : memref<262144xf32, #tpu.memory_space<vmem_shared>> -> memref<262144xf32, #tpu.memory_space<vmem_shared>>
        tpu.wait_indirect_dma semaphore(%arg11 : memref<!tpu.dma_semaphore, #tpu.memory_space<semaphore_mem>>) src(%dma_wait3A_107 : memref<128xf32, #tpu.memory_space<vmem>>) dst(%dma_wait3A_112 : memref<262144xf32, #tpu.memory_space<vmem_shared>>)
        %dma_wait3A_113 = arith.constant 97 : i32
        %dma_wait3A_114 = arith.constant 97 : i32
        %dma_wait3A_115 = arith.constant 0 : i32
        %dma_wait3A_116 = tpu.memref_slice %arg7[%dma_wait3A_113, %dma_wait3A_115] : memref<160x128xf32, #tpu.memory_space<vmem>> -> memref<1x128xf32, #tpu.memory_space<vmem>>
        %dma_wait3A_117 = tpu.memref_squeeze %dma_wait3A_116 : memref<1x128xf32, #tpu.memory_space<vmem>> -> memref<128xf32, #tpu.memory_space<vmem>>
        %dma_wait3A_118 = arith.constant 0 : i32
        %dma_wait3A_119 = tpu.memref_slice %arg6[%dma_wait3A_114, %dma_wait3A_118] : memref<160x128xi32, #tpu.memory_space<vmem>> -> memref<1x128xi32, #tpu.memory_space<vmem>>
        %dma_wait3A_120 = tpu.memref_squeeze %dma_wait3A_119 : memref<1x128xi32, #tpu.memory_space<vmem>> -> memref<128xi32, #tpu.memory_space<vmem>>
        %dma_wait3A_121 = arith.constant 0 : i32
        %dma_wait3A_122 = tpu.memref_slice %arg10[%dma_wait3A_121] : memref<262144xf32, #tpu.memory_space<vmem_shared>> -> memref<262144xf32, #tpu.memory_space<vmem_shared>>
        tpu.wait_indirect_dma semaphore(%arg11 : memref<!tpu.dma_semaphore, #tpu.memory_space<semaphore_mem>>) src(%dma_wait3A_117 : memref<128xf32, #tpu.memory_space<vmem>>) dst(%dma_wait3A_122 : memref<262144xf32, #tpu.memory_space<vmem_shared>>)
        %dma_wait3A_123 = arith.constant 98 : i32
        %dma_wait3A_124 = arith.constant 98 : i32
        %dma_wait3A_125 = arith.constant 0 : i32
        %dma_wait3A_126 = tpu.memref_slice %arg7[%dma_wait3A_123, %dma_wait3A_125] : memref<160x128xf32, #tpu.memory_space<vmem>> -> memref<1x128xf32, #tpu.memory_space<vmem>>
        %dma_wait3A_127 = tpu.memref_squeeze %dma_wait3A_126 : memref<1x128xf32, #tpu.memory_space<vmem>> -> memref<128xf32, #tpu.memory_space<vmem>>
        %dma_wait3A_128 = arith.constant 0 : i32
        %dma_wait3A_129 = tpu.memref_slice %arg6[%dma_wait3A_124, %dma_wait3A_128] : memref<160x128xi32, #tpu.memory_space<vmem>> -> memref<1x128xi32, #tpu.memory_space<vmem>>
        %dma_wait3A_130 = tpu.memref_squeeze %dma_wait3A_129 : memref<1x128xi32, #tpu.memory_space<vmem>> -> memref<128xi32, #tpu.memory_space<vmem>>
        %dma_wait3A_131 = arith.constant 0 : i32
        %dma_wait3A_132 = tpu.memref_slice %arg10[%dma_wait3A_131] : memref<262144xf32, #tpu.memory_space<vmem_shared>> -> memref<262144xf32, #tpu.memory_space<vmem_shared>>
        tpu.wait_indirect_dma semaphore(%arg11 : memref<!tpu.dma_semaphore, #tpu.memory_space<semaphore_mem>>) src(%dma_wait3A_127 : memref<128xf32, #tpu.memory_space<vmem>>) dst(%dma_wait3A_132 : memref<262144xf32, #tpu.memory_space<vmem_shared>>)
        %dma_wait3A_133 = arith.constant 99 : i32
        %dma_wait3A_134 = arith.constant 99 : i32
        %dma_wait3A_135 = arith.constant 0 : i32
        %dma_wait3A_136 = tpu.memref_slice %arg7[%dma_wait3A_133, %dma_wait3A_135] : memref<160x128xf32, #tpu.memory_space<vmem>> -> memref<1x128xf32, #tpu.memory_space<vmem>>
        %dma_wait3A_137 = tpu.memref_squeeze %dma_wait3A_136 : memref<1x128xf32, #tpu.memory_space<vmem>> -> memref<128xf32, #tpu.memory_space<vmem>>
        %dma_wait3A_138 = arith.constant 0 : i32
        %dma_wait3A_139 = tpu.memref_slice %arg6[%dma_wait3A_134, %dma_wait3A_138] : memref<160x128xi32, #tpu.memory_space<vmem>> -> memref<1x128xi32, #tpu.memory_space<vmem>>
        %dma_wait3A_140 = tpu.memref_squeeze %dma_wait3A_139 : memref<1x128xi32, #tpu.memory_space<vmem>> -> memref<128xi32, #tpu.memory_space<vmem>>
        %dma_wait3A_141 = arith.constant 0 : i32
        %dma_wait3A_142 = tpu.memref_slice %arg10[%dma_wait3A_141] : memref<262144xf32, #tpu.memory_space<vmem_shared>> -> memref<262144xf32, #tpu.memory_space<vmem_shared>>
        tpu.wait_indirect_dma semaphore(%arg11 : memref<!tpu.dma_semaphore, #tpu.memory_space<semaphore_mem>>) src(%dma_wait3A_137 : memref<128xf32, #tpu.memory_space<vmem>>) dst(%dma_wait3A_142 : memref<262144xf32, #tpu.memory_space<vmem_shared>>)
      } else {
      }
      %barrier3A_35 = arith.constant 0 : index
      tpu.barrier barrier_id(%barrier3A_35)
      "tpu.region"() ({
        %run_scoped3A = tpu.sem_alloc : memref<!tpu.dma_semaphore, #tpu.memory_space<semaphore_mem>>
        tpu.enqueue_dma source(%arg4 : memref<128xf32, #tpu.memory_space<hbm>>) target(%arg9 : memref<128xf32, #tpu.memory_space<vmem>>) target_semaphore(%run_scoped3A : memref<!tpu.dma_semaphore, #tpu.memory_space<semaphore_mem>>)
        tpu.wait_dma2 semaphore(%run_scoped3A : memref<!tpu.dma_semaphore, #tpu.memory_space<semaphore_mem>>) src(%arg4 : memref<128xf32, #tpu.memory_space<hbm>>) dst(%arg9 : memref<128xf32, #tpu.memory_space<vmem>>)
        tpu.yield
      }) : () -> ()
      "tpu.region"() ({
        %run_scoped3A = tpu.sem_alloc : memref<!tpu.dma_semaphore, #tpu.memory_space<semaphore_mem>>
        %dma_start3A = tpu.memref_slice %arg10[%multiple_of3A] : memref<262144xf32, #tpu.memory_space<vmem_shared>> -> memref<16384xf32, #tpu.memory_space<vmem_shared>>
        %dma_start3A_65 = tpu.memref_slice %arg10[%multiple_of3A] : memref<262144xf32, #tpu.memory_space<vmem_shared>> -> memref<16384xf32, #tpu.memory_space<vmem_shared>>
        tpu.enqueue_dma source(%dma_start3A_65 : memref<16384xf32, #tpu.memory_space<vmem_shared>>) target(%arg8 : memref<16384xf32, #tpu.memory_space<vmem>>) target_semaphore(%run_scoped3A : memref<!tpu.dma_semaphore, #tpu.memory_space<semaphore_mem>>)
        %dma_wait3A = tpu.memref_slice %arg10[%multiple_of3A] : memref<262144xf32, #tpu.memory_space<vmem_shared>> -> memref<16384xf32, #tpu.memory_space<vmem_shared>>
        %dma_wait3A_66 = tpu.memref_slice %arg10[%multiple_of3A] : memref<262144xf32, #tpu.memory_space<vmem_shared>> -> memref<16384xf32, #tpu.memory_space<vmem_shared>>
        tpu.wait_dma2 semaphore(%run_scoped3A : memref<!tpu.dma_semaphore, #tpu.memory_space<semaphore_mem>>) src(%dma_wait3A_66 : memref<16384xf32, #tpu.memory_space<vmem_shared>>) dst(%arg8 : memref<16384xf32, #tpu.memory_space<vmem>>)
        tpu.yield
      }) : () -> ()
      %get3A = arith.constant 0 : index
      %get3A_36 = tpu.vector_load %arg9[%get3A] {strides = array<i32>} : memref<128xf32, #tpu.memory_space<vmem>>, vector<16xf32>,
      %get3A_37 = vector.shape_cast %get3A_36 : vector<16xf32> to vector<16xf32>
      %get3A_38 = arith.constant 16 : index
      %get3A_39 = tpu.vector_load %arg9[%get3A_38] {strides = array<i32>} : memref<128xf32, #tpu.memory_space<vmem>>, vector<16xf32>,
      %get3A_40 = vector.shape_cast %get3A_39 : vector<16xf32> to vector<16xf32>
      %get3A_41 = arith.constant 32 : index
      %get3A_42 = tpu.vector_load %arg9[%get3A_41] {strides = array<i32>} : memref<128xf32, #tpu.memory_space<vmem>>, vector<16xf32>,
      %get3A_43 = vector.shape_cast %get3A_42 : vector<16xf32> to vector<16xf32>
      %get3A_44 = arith.constant 48 : index
      %get3A_45 = tpu.vector_load %arg9[%get3A_44] {strides = array<i32>} : memref<128xf32, #tpu.memory_space<vmem>>, vector<16xf32>,
      %get3A_46 = vector.shape_cast %get3A_45 : vector<16xf32> to vector<16xf32>
      %get3A_47 = arith.constant 64 : index
      %get3A_48 = tpu.vector_load %arg9[%get3A_47] {strides = array<i32>} : memref<128xf32, #tpu.memory_space<vmem>>, vector<16xf32>,
      %get3A_49 = vector.shape_cast %get3A_48 : vector<16xf32> to vector<16xf32>
      %get3A_50 = arith.constant 80 : index
      %get3A_51 = tpu.vector_load %arg9[%get3A_50] {strides = array<i32>} : memref<128xf32, #tpu.memory_space<vmem>>, vector<16xf32>,
      %get3A_52 = vector.shape_cast %get3A_51 : vector<16xf32> to vector<16xf32>
      %get3A_53 = arith.constant 96 : index
      %get3A_54 = tpu.vector_load %arg9[%get3A_53] {strides = array<i32>} : memref<128xf32, #tpu.memory_space<vmem>>, vector<16xf32>,
      %get3A_55 = vector.shape_cast %get3A_54 : vector<16xf32> to vector<16xf32>
      %get3A_56 = arith.constant 112 : index
      %get3A_57 = tpu.vector_load %arg9[%get3A_56] {strides = array<i32>} : memref<128xf32, #tpu.memory_space<vmem>>, vector<16xf32>,
      %get3A_58 = vector.shape_cast %get3A_57 : vector<16xf32> to vector<16xf32>
      %scan3A_59 = arith.constant 0 : i32
      %scan3A_60 = arith.constant 0 : i32
      %scan3A_61 = arith.constant 128 : i32
      %scan3A_62 = arith.addi %scan3A_60, %scan3A_61 : i32
      %scan3A_63 = arith.constant 1 : i32
      scf.for %scan3A_65 = %scan3A_60 to %scan3A_62 step %scan3A_63  : i32 {
        %mul3A_66 = arith.constant 128 : i32
        %mul3A_67 = arith.muli %scan3A_65, %mul3A_66 : i32
        %multiple_of3A_68 = tpu.assume_multiple %mul3A_67, 128 : i32
        %add3A = arith.constant 0 : i32
        %add3A_69 = arith.addi %multiple_of3A_68, %add3A : i32
        %multiple_of3A_70 = tpu.assume_multiple %add3A_69, 16 : i32
        %get3A_71 = arith.index_cast %multiple_of3A_70 : i32 to index
        %get3A_72 = tpu.vector_load %arg8[%get3A_71] {strides = array<i32>} : memref<16384xf32, #tpu.memory_space<vmem>>, vector<16xf32>,
        %get3A_73 = vector.shape_cast %get3A_72 : vector<16xf32> to vector<16xf32>
        %add3A_74 = arith.addf %get3A_73, %get3A_37 : vector<16xf32>
        %swap3A = arith.index_cast %multiple_of3A_70 : i32 to index
        %swap3A_75 = tpu.vector_load %arg8[%swap3A] {strides = array<i32>} : memref<16384xf32, #tpu.memory_space<vmem>>, vector<16xf32>,
        %swap3A_76 = vector.shape_cast %swap3A_75 : vector<16xf32> to vector<16xf32>
        %swap3A_77 = vector.shape_cast %add3A_74 : vector<16xf32> to vector<16xf32>
        tpu.vector_store %arg8[%swap3A], %swap3A_77 {strides = array<i32>} : memref<16384xf32, #tpu.memory_space<vmem>>, vector<16xf32>,
        %add3A_78 = arith.constant 16 : i32
        %add3A_79 = arith.addi %multiple_of3A_68, %add3A_78 : i32
        %multiple_of3A_80 = tpu.assume_multiple %add3A_79, 16 : i32
        %get3A_81 = arith.index_cast %multiple_of3A_80 : i32 to index
        %get3A_82 = tpu.vector_load %arg8[%get3A_81] {strides = array<i32>} : memref<16384xf32, #tpu.memory_space<vmem>>, vector<16xf32>,
        %get3A_83 = vector.shape_cast %get3A_82 : vector<16xf32> to vector<16xf32>
        %add3A_84 = arith.addf %get3A_83, %get3A_40 : vector<16xf32>
        %swap3A_85 = arith.index_cast %multiple_of3A_80 : i32 to index
        %swap3A_86 = tpu.vector_load %arg8[%swap3A_85] {strides = array<i32>} : memref<16384xf32, #tpu.memory_space<vmem>>, vector<16xf32>,
        %swap3A_87 = vector.shape_cast %swap3A_86 : vector<16xf32> to vector<16xf32>
        %swap3A_88 = vector.shape_cast %add3A_84 : vector<16xf32> to vector<16xf32>
        tpu.vector_store %arg8[%swap3A_85], %swap3A_88 {strides = array<i32>} : memref<16384xf32, #tpu.memory_space<vmem>>, vector<16xf32>,
        %add3A_89 = arith.constant 32 : i32
        %add3A_90 = arith.addi %multiple_of3A_68, %add3A_89 : i32
        %multiple_of3A_91 = tpu.assume_multiple %add3A_90, 16 : i32
        %get3A_92 = arith.index_cast %multiple_of3A_91 : i32 to index
        %get3A_93 = tpu.vector_load %arg8[%get3A_92] {strides = array<i32>} : memref<16384xf32, #tpu.memory_space<vmem>>, vector<16xf32>,
        %get3A_94 = vector.shape_cast %get3A_93 : vector<16xf32> to vector<16xf32>
        %add3A_95 = arith.addf %get3A_94, %get3A_43 : vector<16xf32>
        %swap3A_96 = arith.index_cast %multiple_of3A_91 : i32 to index
        %swap3A_97 = tpu.vector_load %arg8[%swap3A_96] {strides = array<i32>} : memref<16384xf32, #tpu.memory_space<vmem>>, vector<16xf32>,
        %swap3A_98 = vector.shape_cast %swap3A_97 : vector<16xf32> to vector<16xf32>
        %swap3A_99 = vector.shape_cast %add3A_95 : vector<16xf32> to vector<16xf32>
        tpu.vector_store %arg8[%swap3A_96], %swap3A_99 {strides = array<i32>} : memref<16384xf32, #tpu.memory_space<vmem>>, vector<16xf32>,
        %add3A_100 = arith.constant 48 : i32
        %add3A_101 = arith.addi %multiple_of3A_68, %add3A_100 : i32
        %multiple_of3A_102 = tpu.assume_multiple %add3A_101, 16 : i32
        %get3A_103 = arith.index_cast %multiple_of3A_102 : i32 to index
        %get3A_104 = tpu.vector_load %arg8[%get3A_103] {strides = array<i32>} : memref<16384xf32, #tpu.memory_space<vmem>>, vector<16xf32>,
        %get3A_105 = vector.shape_cast %get3A_104 : vector<16xf32> to vector<16xf32>
        %add3A_106 = arith.addf %get3A_105, %get3A_46 : vector<16xf32>
        %swap3A_107 = arith.index_cast %multiple_of3A_102 : i32 to index
        %swap3A_108 = tpu.vector_load %arg8[%swap3A_107] {strides = array<i32>} : memref<16384xf32, #tpu.memory_space<vmem>>, vector<16xf32>,
        %swap3A_109 = vector.shape_cast %swap3A_108 : vector<16xf32> to vector<16xf32>
        %swap3A_110 = vector.shape_cast %add3A_106 : vector<16xf32> to vector<16xf32>
        tpu.vector_store %arg8[%swap3A_107], %swap3A_110 {strides = array<i32>} : memref<16384xf32, #tpu.memory_space<vmem>>, vector<16xf32>,
        %add3A_111 = arith.constant 64 : i32
        %add3A_112 = arith.addi %multiple_of3A_68, %add3A_111 : i32
        %multiple_of3A_113 = tpu.assume_multiple %add3A_112, 16 : i32
        %get3A_114 = arith.index_cast %multiple_of3A_113 : i32 to index
        %get3A_115 = tpu.vector_load %arg8[%get3A_114] {strides = array<i32>} : memref<16384xf32, #tpu.memory_space<vmem>>, vector<16xf32>,
        %get3A_116 = vector.shape_cast %get3A_115 : vector<16xf32> to vector<16xf32>
        %add3A_117 = arith.addf %get3A_116, %get3A_49 : vector<16xf32>
        %swap3A_118 = arith.index_cast %multiple_of3A_113 : i32 to index
        %swap3A_119 = tpu.vector_load %arg8[%swap3A_118] {strides = array<i32>} : memref<16384xf32, #tpu.memory_space<vmem>>, vector<16xf32>,
        %swap3A_120 = vector.shape_cast %swap3A_119 : vector<16xf32> to vector<16xf32>
        %swap3A_121 = vector.shape_cast %add3A_117 : vector<16xf32> to vector<16xf32>
        tpu.vector_store %arg8[%swap3A_118], %swap3A_121 {strides = array<i32>} : memref<16384xf32, #tpu.memory_space<vmem>>, vector<16xf32>,
        %add3A_122 = arith.constant 80 : i32
        %add3A_123 = arith.addi %multiple_of3A_68, %add3A_122 : i32
        %multiple_of3A_124 = tpu.assume_multiple %add3A_123, 16 : i32
        %get3A_125 = arith.index_cast %multiple_of3A_124 : i32 to index
        %get3A_126 = tpu.vector_load %arg8[%get3A_125] {strides = array<i32>} : memref<16384xf32, #tpu.memory_space<vmem>>, vector<16xf32>,
        %get3A_127 = vector.shape_cast %get3A_126 : vector<16xf32> to vector<16xf32>
        %add3A_128 = arith.addf %get3A_127, %get3A_52 : vector<16xf32>
        %swap3A_129 = arith.index_cast %multiple_of3A_124 : i32 to index
        %swap3A_130 = tpu.vector_load %arg8[%swap3A_129] {strides = array<i32>} : memref<16384xf32, #tpu.memory_space<vmem>>, vector<16xf32>,
        %swap3A_131 = vector.shape_cast %swap3A_130 : vector<16xf32> to vector<16xf32>
        %swap3A_132 = vector.shape_cast %add3A_128 : vector<16xf32> to vector<16xf32>
        tpu.vector_store %arg8[%swap3A_129], %swap3A_132 {strides = array<i32>} : memref<16384xf32, #tpu.memory_space<vmem>>, vector<16xf32>,
        %add3A_133 = arith.constant 96 : i32
        %add3A_134 = arith.addi %multiple_of3A_68, %add3A_133 : i32
        %multiple_of3A_135 = tpu.assume_multiple %add3A_134, 16 : i32
        %get3A_136 = arith.index_cast %multiple_of3A_135 : i32 to index
        %get3A_137 = tpu.vector_load %arg8[%get3A_136] {strides = array<i32>} : memref<16384xf32, #tpu.memory_space<vmem>>, vector<16xf32>,
        %get3A_138 = vector.shape_cast %get3A_137 : vector<16xf32> to vector<16xf32>
        %add3A_139 = arith.addf %get3A_138, %get3A_55 : vector<16xf32>
        %swap3A_140 = arith.index_cast %multiple_of3A_135 : i32 to index
        %swap3A_141 = tpu.vector_load %arg8[%swap3A_140] {strides = array<i32>} : memref<16384xf32, #tpu.memory_space<vmem>>, vector<16xf32>,
        %swap3A_142 = vector.shape_cast %swap3A_141 : vector<16xf32> to vector<16xf32>
        %swap3A_143 = vector.shape_cast %add3A_139 : vector<16xf32> to vector<16xf32>
        tpu.vector_store %arg8[%swap3A_140], %swap3A_143 {strides = array<i32>} : memref<16384xf32, #tpu.memory_space<vmem>>, vector<16xf32>,
        %add3A_144 = arith.constant 112 : i32
        %add3A_145 = arith.addi %multiple_of3A_68, %add3A_144 : i32
        %multiple_of3A_146 = tpu.assume_multiple %add3A_145, 16 : i32
        %get3A_147 = arith.index_cast %multiple_of3A_146 : i32 to index
        %get3A_148 = tpu.vector_load %arg8[%get3A_147] {strides = array<i32>} : memref<16384xf32, #tpu.memory_space<vmem>>, vector<16xf32>,
        %get3A_149 = vector.shape_cast %get3A_148 : vector<16xf32> to vector<16xf32>
        %add3A_150 = arith.addf %get3A_149, %get3A_58 : vector<16xf32>
        %swap3A_151 = arith.index_cast %multiple_of3A_146 : i32 to index
        %swap3A_152 = tpu.vector_load %arg8[%swap3A_151] {strides = array<i32>} : memref<16384xf32, #tpu.memory_space<vmem>>, vector<16xf32>,
        %swap3A_153 = vector.shape_cast %swap3A_152 : vector<16xf32> to vector<16xf32>
        %swap3A_154 = vector.shape_cast %add3A_150 : vector<16xf32> to vector<16xf32>
        tpu.vector_store %arg8[%swap3A_151], %swap3A_154 {strides = array<i32>} : memref<16384xf32, #tpu.memory_space<vmem>>, vector<16xf32>,
      }
      %scan3A_64 = arith.constant 128 : i32
      "tpu.region"() ({
        %run_scoped3A = tpu.sem_alloc : memref<!tpu.dma_semaphore, #tpu.memory_space<semaphore_mem>>
        %dma_start3A = tpu.memref_slice %arg5[%multiple_of3A] : memref<262144xf32, #tpu.memory_space<hbm>> -> memref<16384xf32, #tpu.memory_space<hbm>>
        %dma_start3A_65 = tpu.memref_slice %arg5[%multiple_of3A] : memref<262144xf32, #tpu.memory_space<hbm>> -> memref<16384xf32, #tpu.memory_space<hbm>>
        tpu.enqueue_dma source(%arg8 : memref<16384xf32, #tpu.memory_space<vmem>>) target(%dma_start3A_65 : memref<16384xf32, #tpu.memory_space<hbm>>) target_semaphore(%run_scoped3A : memref<!tpu.dma_semaphore, #tpu.memory_space<semaphore_mem>>)
        %dma_wait3A = tpu.memref_slice %arg5[%multiple_of3A] : memref<262144xf32, #tpu.memory_space<hbm>> -> memref<16384xf32, #tpu.memory_space<hbm>>
        %dma_wait3A_66 = tpu.memref_slice %arg5[%multiple_of3A] : memref<262144xf32, #tpu.memory_space<hbm>> -> memref<16384xf32, #tpu.memory_space<hbm>>
        tpu.wait_dma2 semaphore(%run_scoped3A : memref<!tpu.dma_semaphore, #tpu.memory_space<semaphore_mem>>) src(%arg8 : memref<16384xf32, #tpu.memory_space<vmem>>) dst(%dma_wait3A_66 : memref<16384xf32, #tpu.memory_space<hbm>>)
        tpu.yield
      }) : () -> ()
    } else {
    }
    return
  }
}

module attributes {stable_mosaic.version = 14 : i64} {
  func.func @_mlp_body(%arg0: i32, %arg1: memref<2x16000xf32, #tpu.memory_space<vmem>>, %arg2: memref<16000x128xf32, #tpu.memory_space<vmem>>, %arg3: memref<20x2xf32, #tpu.memory_space<vmem>>, %arg4: memref<20x1xf32, #tpu.memory_space<vmem>>, %arg5: memref<20x1xf32, #tpu.memory_space<vmem>>, %arg6: memref<1x1xf32, #tpu.memory_space<vmem>>, %arg7: memref<128x128xf32, #tpu.memory_space<vmem>>, %arg8: memref<128x1xf32, #tpu.memory_space<vmem>>, %arg9: memref<128x1xf32, #tpu.memory_space<vmem>>, %arg10: memref<1x1xf32, #tpu.memory_space<vmem>>, %arg11: memref<1x16000xf32, #tpu.memory_space<vmem>>) attributes {dimension_semantics = [#tpu.dimension_semantics<arbitrary>], iteration_bounds = array<i64: 20>, scalar_prefetch = 0 : i64, scratch_operands = 0 : i64, tpu.core_type = #tpu.core_type<tc>, window_params = [{transform_indices = @transform_0, window_bounds = array<i64: 2, 16000>}, {transform_indices = @transform_1, window_bounds = array<i64: 16000, 128>}, {pipeline_mode = #tpu.pipeline_mode<synchronous>, transform_indices = @transform_2, window_bounds = array<i64: 20, 2>}, {pipeline_mode = #tpu.pipeline_mode<synchronous>, transform_indices = @transform_3, window_bounds = array<i64: 20, 1>}, {pipeline_mode = #tpu.pipeline_mode<synchronous>, transform_indices = @transform_4, window_bounds = array<i64: 20, 1>}, {pipeline_mode = #tpu.pipeline_mode<synchronous>, transform_indices = @transform_5, window_bounds = array<i64: 1, 1>}, {pipeline_mode = #tpu.pipeline_mode<synchronous>, transform_indices = @transform_6, window_bounds = array<i64: 128, 128>}, {pipeline_mode = #tpu.pipeline_mode<synchronous>, transform_indices = @transform_7, window_bounds = array<i64: 128, 1>}, {pipeline_mode = #tpu.pipeline_mode<synchronous>, transform_indices = @transform_8, window_bounds = array<i64: 128, 1>}, {pipeline_mode = #tpu.pipeline_mode<synchronous>, transform_indices = @transform_9, window_bounds = array<i64: 1, 1>}, {transform_indices = @transform_10, window_bounds = array<i64: 1, 16000>}]} {
    %get3A = arith.constant 0 : index
    %get3A_0 = arith.constant 0 : index
    %get3A_1 = vector.load %arg1[%get3A, %get3A_0] : memref<2x16000xf32, #tpu.memory_space<vmem>>, vector<2x16000xf32>
    %get3A_2 = arith.constant 0 : index
    %get3A_3 = arith.constant 0 : index
    %get3A_4 = vector.load %arg3[%get3A_2, %get3A_3] : memref<20x2xf32, #tpu.memory_space<vmem>>, vector<20x2xf32>
    %slice3A = vector.extract_strided_slice %get3A_1 {offsets = [0, 0], sizes = [1, 16000], strides = [1, 1]} : vector<2x16000xf32> to vector<1x16000xf32>
    %slice3A_5 = vector.extract_strided_slice %get3A_4 {offsets = [0, 0], sizes = [10, 1], strides = [1, 1]} : vector<20x2xf32> to vector<10x1xf32>
    %mul3A = vector.broadcast %slice3A : vector<1x16000xf32> to vector<10x16000xf32>
    %mul3A_6 = vector.broadcast %slice3A_5 : vector<10x1xf32> to vector<10x16000xf32>
    %mul3A_7 = arith.mulf %mul3A, %mul3A_6 : vector<10x16000xf32>
    %slice3A_8 = vector.extract_strided_slice %get3A_1 {offsets = [1, 0], sizes = [1, 16000], strides = [1, 1]} : vector<2x16000xf32> to vector<1x16000xf32>
    %slice3A_9 = vector.extract_strided_slice %get3A_4 {offsets = [10, 1], sizes = [10, 1], strides = [1, 1]} : vector<20x2xf32> to vector<10x1xf32>
    %mul3A_10 = vector.broadcast %slice3A_8 : vector<1x16000xf32> to vector<10x16000xf32>
    %mul3A_11 = vector.broadcast %slice3A_9 : vector<10x1xf32> to vector<10x16000xf32>
    %mul3A_12 = arith.mulf %mul3A_10, %mul3A_11 : vector<10x16000xf32>
    %concatenate3A = tpu.concatenate %mul3A_7, %mul3A_12 in 0 : vector<10x16000xf32>, vector<10x16000xf32> -> vector<20x16000xf32>
    %get3A_13 = arith.constant 0 : index
    %get3A_14 = arith.constant 0 : index
    %get3A_15 = vector.load %arg4[%get3A_13, %get3A_14] : memref<20x1xf32, #tpu.memory_space<vmem>>, vector<20x1xf32>
    %add3A = vector.broadcast %get3A_15 : vector<20x1xf32> to vector<20x16000xf32>
    %add3A_16 = arith.addf %concatenate3A, %add3A : vector<20x16000xf32>
    %mul3A_17 = arith.constant 0.159154937 : f32
    %mul3A_18 = vector.broadcast %mul3A_17 : f32 to vector<20x16000xf32>
    %mul3A_19 = arith.mulf %add3A_16, %mul3A_18 : vector<20x16000xf32>
    %round3A = math.roundeven %mul3A_19 : vector<20x16000xf32>
    %mul3A_20 = arith.constant 6.28318548 : f32
    %mul3A_21 = vector.broadcast %mul3A_20 : f32 to vector<20x16000xf32>
    %mul3A_22 = arith.mulf %round3A, %mul3A_21 : vector<20x16000xf32>
    %sub3A = arith.subf %add3A_16, %mul3A_22 : vector<20x16000xf32>
    %mul3A_23 = arith.constant -1.74845553E-7 : f32
    %mul3A_24 = vector.broadcast %mul3A_23 : f32 to vector<20x16000xf32>
    %mul3A_25 = arith.mulf %round3A, %mul3A_24 : vector<20x16000xf32>
    %sub3A_26 = arith.subf %sub3A, %mul3A_25 : vector<20x16000xf32>
    %mul3A_27 = arith.mulf %sub3A_26, %sub3A_26 : vector<20x16000xf32>
    %mul3A_28 = arith.constant 1.35331496E-10 : f32
    %mul3A_29 = vector.broadcast %mul3A_28 : f32 to vector<20x16000xf32>
    %mul3A_30 = arith.mulf %mul3A_29, %mul3A_27 : vector<20x16000xf32>
    %add3A_31 = arith.constant -2.47015759E-8 : f32
    %add3A_32 = vector.broadcast %add3A_31 : f32 to vector<20x16000xf32>
    %add3A_33 = arith.addf %mul3A_30, %add3A_32 : vector<20x16000xf32>
    %mul3A_34 = arith.mulf %add3A_33, %mul3A_27 : vector<20x16000xf32>
    %add3A_35 = arith.constant 2.75322873E-6 : f32
    %add3A_36 = vector.broadcast %add3A_35 : f32 to vector<20x16000xf32>
    %add3A_37 = arith.addf %mul3A_34, %add3A_36 : vector<20x16000xf32>
    %mul3A_38 = arith.mulf %add3A_37, %mul3A_27 : vector<20x16000xf32>
    %add3A_39 = arith.constant -1.98403111E-4 : f32
    %add3A_40 = vector.broadcast %add3A_39 : f32 to vector<20x16000xf32>
    %add3A_41 = arith.addf %mul3A_38, %add3A_40 : vector<20x16000xf32>
    %mul3A_42 = arith.mulf %add3A_41, %mul3A_27 : vector<20x16000xf32>
    %add3A_43 = arith.constant 0.00833331421 : f32
    %add3A_44 = vector.broadcast %add3A_43 : f32 to vector<20x16000xf32>
    %add3A_45 = arith.addf %mul3A_42, %add3A_44 : vector<20x16000xf32>
    %mul3A_46 = arith.mulf %add3A_45, %mul3A_27 : vector<20x16000xf32>
    %add3A_47 = arith.constant -0.166666657 : f32
    %add3A_48 = vector.broadcast %add3A_47 : f32 to vector<20x16000xf32>
    %add3A_49 = arith.addf %mul3A_46, %add3A_48 : vector<20x16000xf32>
    %mul3A_50 = arith.mulf %add3A_49, %mul3A_27 : vector<20x16000xf32>
    %add3A_51 = arith.constant 1.000000e+00 : f32
    %add3A_52 = vector.broadcast %add3A_51 : f32 to vector<20x16000xf32>
    %add3A_53 = arith.addf %mul3A_50, %add3A_52 : vector<20x16000xf32>
    %mul3A_54 = arith.mulf %add3A_53, %sub3A_26 : vector<20x16000xf32>
    %get3A_55 = arith.constant 0 : index
    %get3A_56 = arith.constant 0 : index
    %get3A_57 = vector.load %arg5[%get3A_55, %get3A_56] : memref<20x1xf32, #tpu.memory_space<vmem>>, vector<20x1xf32>
    %mul3A_58 = vector.broadcast %get3A_57 : vector<20x1xf32> to vector<20x16000xf32>
    %mul3A_59 = arith.mulf %mul3A_54, %mul3A_58 : vector<20x16000xf32>
    %reduce_sum3A = arith.constant dense<0.000000e+00> : vector<16000xf32>
    %reduce_sum3A_60 = vector.multi_reduction <add>, %mul3A_59, %reduce_sum3A [0] : vector<20x16000xf32> to vector<16000xf32>
    %broadcast_in_dim3A = vector.shape_cast %reduce_sum3A_60 : vector<16000xf32> to vector<1x16000xf32>
    %get3A_61 = arith.constant 0 : index
    %get3A_62 = arith.constant 0 : index
    %get3A_63 = vector.load %arg6[%get3A_61, %get3A_62] : memref<1x1xf32, #tpu.memory_space<vmem>>, vector<1x1xf32>
    %get3A_64 = vector.extract %get3A_63[0, 0] : f32 from vector<1x1xf32>
    %add3A_65 = vector.broadcast %get3A_64 : f32 to vector<1x16000xf32>
    %add3A_66 = arith.addf %broadcast_in_dim3A, %add3A_65 : vector<1x16000xf32>
    %get3A_67 = arith.constant 0 : index
    %get3A_68 = arith.constant 0 : index
    %get3A_69 = vector.load %arg7[%get3A_67, %get3A_68] : memref<128x128xf32, #tpu.memory_space<vmem>>, vector<128x128xf32>
    %get3A_70 = arith.constant 0 : index
    %get3A_71 = arith.constant 0 : index
    %get3A_72 = vector.load %arg2[%get3A_70, %get3A_71] : memref<16000x128xf32, #tpu.memory_space<vmem>>, vector<16000x128xf32>
    %dot_general3A = arith.constant dense<0.000000e+00> : vector<128x16000xf32>
    %dot_general3A_73 = tpu.matmul %get3A_69, %get3A_72, %dot_general3A {dimension_numbers = #tpu.dot_dimension_numbers<[1], [1], [0], [0], [0, 0, 1, 0], [], []>, precision = #tpu.contract_precision<fp32>, transpose_lhs_hint = false} : vector<128x128xf32>, vector<16000x128xf32>, vector<128x16000xf32> -> vector<128x16000xf32>
    %mul3A_74 = vector.broadcast %add3A_66 : vector<1x16000xf32> to vector<128x16000xf32>
    %mul3A_75 = arith.mulf %dot_general3A_73, %mul3A_74 : vector<128x16000xf32>
    %get3A_76 = arith.constant 0 : index
    %get3A_77 = arith.constant 0 : index
    %get3A_78 = vector.load %arg8[%get3A_76, %get3A_77] : memref<128x1xf32, #tpu.memory_space<vmem>>, vector<128x1xf32>
    %add3A_79 = vector.broadcast %get3A_78 : vector<128x1xf32> to vector<128x16000xf32>
    %add3A_80 = arith.addf %mul3A_75, %add3A_79 : vector<128x16000xf32>
    %max3A = arith.constant 0.000000e+00 : f32
    %max3A_81 = vector.broadcast %max3A : f32 to vector<128x16000xf32>
    %max3A_82 = arith.maximumf %add3A_80, %max3A_81 : vector<128x16000xf32>
    %get3A_83 = arith.constant 0 : index
    %get3A_84 = arith.constant 0 : index
    %get3A_85 = vector.load %arg9[%get3A_83, %get3A_84] : memref<128x1xf32, #tpu.memory_space<vmem>>, vector<128x1xf32>
    %mul3A_86 = vector.broadcast %get3A_85 : vector<128x1xf32> to vector<128x16000xf32>
    %mul3A_87 = arith.mulf %max3A_82, %mul3A_86 : vector<128x16000xf32>
    %reduce_sum3A_88 = arith.constant dense<0.000000e+00> : vector<16000xf32>
    %reduce_sum3A_89 = vector.multi_reduction <add>, %mul3A_87, %reduce_sum3A_88 [0] : vector<128x16000xf32> to vector<16000xf32>
    %broadcast_in_dim3A_90 = vector.shape_cast %reduce_sum3A_89 : vector<16000xf32> to vector<1x16000xf32>
    %get3A_91 = arith.constant 0 : index
    %get3A_92 = arith.constant 0 : index
    %get3A_93 = vector.load %arg10[%get3A_91, %get3A_92] : memref<1x1xf32, #tpu.memory_space<vmem>>, vector<1x1xf32>
    %get3A_94 = vector.extract %get3A_93[0, 0] : f32 from vector<1x1xf32>
    %add3A_95 = vector.broadcast %get3A_94 : f32 to vector<1x16000xf32>
    %add3A_96 = arith.addf %broadcast_in_dim3A_90, %add3A_95 : vector<1x16000xf32>
    %swap3A = arith.constant 0 : index
    %swap3A_97 = arith.constant 0 : index
    %swap3A_98 = vector.load %arg11[%swap3A, %swap3A_97] : memref<1x16000xf32, #tpu.memory_space<vmem>>, vector<1x16000xf32>
    tpu.vector_store %arg11[%swap3A, %swap3A_97], %add3A_96 {strides = array<i32>} : memref<1x16000xf32, #tpu.memory_space<vmem>>, vector<1x16000xf32>,
    return
  }
  func.func @transform_0(%arg0: i32) -> (i32, i32) {
    %c0_i32 = arith.constant 0 : i32
    %c0_i32_0 = arith.constant 0 : i32
    return %c0_i32, %arg0 : i32, i32
  }
  func.func @transform_1(%arg0: i32) -> (i32, i32) {
    %c0_i32 = arith.constant 0 : i32
    %c0_i32_0 = arith.constant 0 : i32
    return %arg0, %c0_i32 : i32, i32
  }
  func.func @transform_2(%arg0: i32) -> (i32, i32) {
    %c0_i32 = arith.constant 0 : i32
    %c0_i32_0 = arith.constant 0 : i32
    %c0_i32_1 = arith.constant 0 : i32
    return %c0_i32, %c0_i32_0 : i32, i32
  }
  func.func @transform_3(%arg0: i32) -> (i32, i32) {
    %c0_i32 = arith.constant 0 : i32
    %c0_i32_0 = arith.constant 0 : i32
    %c0_i32_1 = arith.constant 0 : i32
    return %c0_i32, %c0_i32_0 : i32, i32
  }
  func.func @transform_4(%arg0: i32) -> (i32, i32) {
    %c0_i32 = arith.constant 0 : i32
    %c0_i32_0 = arith.constant 0 : i32
    %c0_i32_1 = arith.constant 0 : i32
    return %c0_i32, %c0_i32_0 : i32, i32
  }
  func.func @transform_5(%arg0: i32) -> (i32, i32) {
    %c0_i32 = arith.constant 0 : i32
    %c0_i32_0 = arith.constant 0 : i32
    %c0_i32_1 = arith.constant 0 : i32
    return %c0_i32, %c0_i32_0 : i32, i32
  }
  func.func @transform_6(%arg0: i32) -> (i32, i32) {
    %c0_i32 = arith.constant 0 : i32
    %c0_i32_0 = arith.constant 0 : i32
    %c0_i32_1 = arith.constant 0 : i32
    return %c0_i32, %c0_i32_0 : i32, i32
  }
  func.func @transform_7(%arg0: i32) -> (i32, i32) {
    %c0_i32 = arith.constant 0 : i32
    %c0_i32_0 = arith.constant 0 : i32
    %c0_i32_1 = arith.constant 0 : i32
    return %c0_i32, %c0_i32_0 : i32, i32
  }
  func.func @transform_8(%arg0: i32) -> (i32, i32) {
    %c0_i32 = arith.constant 0 : i32
    %c0_i32_0 = arith.constant 0 : i32
    %c0_i32_1 = arith.constant 0 : i32
    return %c0_i32, %c0_i32_0 : i32, i32
  }
  func.func @transform_9(%arg0: i32) -> (i32, i32) {
    %c0_i32 = arith.constant 0 : i32
    %c0_i32_0 = arith.constant 0 : i32
    %c0_i32_1 = arith.constant 0 : i32
    return %c0_i32, %c0_i32_0 : i32, i32
  }
  func.func @transform_10(%arg0: i32) -> (i32, i32) {
    %c0_i32 = arith.constant 0 : i32
    %c0_i32_0 = arith.constant 0 : i32
    return %c0_i32, %arg0 : i32, i32
  }
}

</mosaic_0001>

<sc_bundles>
// kernel: kernel.4.cloned.1.call-start
scs
__scs_entry_jumppad:
0x0: {  	(pc) =	sbr.rel $0x88, $3  }
0x1: {  	(tag) =	ssettag $0x0;
	lr =	simm.s32 $0x1  }
0x2: {  	[smem:$0x3F94] =	sst lr;
	_ =	strace $0xD0000000  }
0x3: {  	_ = 	snop  }
0x4: {  	_ = 	snop  }
0x5: {  	_ = 	snop  }
0x6: {  	_ = 	snop  }
0x7: {  	_ = 	snop  }
__scs_overlays_trampoline_lowered:
0x8: {  	[smem:$0x3FA3] =	sst s0  }
0x9: {  	[smem:$0x3FA4] =	sst s1  }
0xa: {  	[smem:$0x3FA5] =	sst s2  }
0xb: {  	[smem:$0x3FA6] =	sst s3  }
0xc: {  	[smem:$0x3FA7] =	sst s4  }
0xd: {  	[smem:$0x3FA8] =	sst s5  }
0xe: {  	[smem:$0x3FA9] =	sst s6  }
0xf: {  	[smem:$0x3FAA] =	sst s7  }
0x10: {  	[smem:$0x3FAB] =	sst s8  }
0x11: {  	[smem:$0x3FAC] =	sst s9;
	s0 =	simm.s32 @!p0 $0x0  }
0x12: {  	s1 =	sld [smem:$0x3F92];
	s0 =	simm.s32 @p0 $0x1  }
0x13: {  	[smem:$0x3FAD] =	sst s0;
	s0 =	simm.s32 @!p1 $0x0  }
0x14: {  	s2 =	sld [smem:$0x3F91];
	s0 =	simm.s32 @p1 $0x1  }
0x15: {  	[smem:$0x3FAE] =	sst s0;
	s0 =	simm.s32 @!p2 $0x0  }
0x16: {  	s3 =	sld [smem:$0x3FDB];
	s0 =	simm.s32 @p2 $0x1  }
0x17: {  	s4 =	simm.s32 $0x1BF5;
	[smem:$0x3FB0] =	sst s0  }
0x18: {  	s0 =	sld [smem:$0x3F93];
	_ =	swait.ge [sflag:s4], $0x0  }
0x19: {  	s7 =	sld [smem:$0x3F94]  }
0x1a: {  	s8 =	sadd.s32 $0xFFFFE003, lr  }
0x1b: {  	s9 =	sadd.s32 $0xFFFFFEF7, lr;
	s5 =	simm.s32 $0xFFFFFFFF;
	p2 =	slt.u32 s8, $0xFFFFF086  }
0x1c: {  	p1 =	slt.u32 s9, $0xF7A;
	s5 =	simm.s32 @!p2 $0x0  }
0x1d: {  	s5 =	simm.s32 @p1 $0x1;
	p0 =	seq.s32 s7, s2  }
0x1e: {  	s7 =	smul.u32 @!p0 $0xF7A, s2;
	p2 =	seq.s32 @!p0 s5, $0x0  }
0x1f: {  	s9 =	smul.u32 $0xF7A, s1;
	s8 =	simm.s32 @!p0 $0x1BF5;
	p2 =	por !p2, p0  }
0x20: {  	[sflag:s8] =	ssyncset.s32 @!p0 $0xFFFFF086;
	s6 =	sadd.s32 @!p0 s3, s7;
	s7 =	simm.s32 @!p0 $0x108  }
0x21: {  	s3 =	sadd.s32 s3, s9;
	s6 =	sadd.s32 @!p0 $0x88, s6;
	s7 =	simm.s32 @p2 $0x1082  }
0x22: {  	[simem:s7], [sflag:s8] =	dma.local @!p0 [hbm:s6], $0xF7A  }
0x23: {  	s9 =	sor.u32 $0xD0000000, s2;
	s6 =	simm.s32 $0x108;
	_ =	swait.ge @!p0 [sflag:s8], $0x0  }
0x24: {  	s3 =	sadd.s32 $0x88, s3;
	s6 =	simm.s32 @!p1 $0x1082;
	[sflag:s4] =	ssyncset.s32 $0xFFFFF086  }
0x25: {  	[simem:s6], [sflag:s4] =	dma.local [hbm:s3], $0xF7A  }
0x26: {  	[smem:$0x3F94] =	sst s1;
	(tag) =	ssettag s2;
	_ =	strace s9  }
0x27: {  	s1 =	sld [smem:$0x3FA4]  }
0x28: {  	s2 =	sld [smem:$0x3FA5]  }
0x29: {  	s4 =	sld [smem:$0x3FA7]  }
0x2a: {  	p0 =	seq.s32 s5, $0x0;
	s5 =	sld [smem:$0x3FA8]  }
0x2b: {  	s6 =	sld [smem:$0x3FA9]  }
0x2c: {  	s7 =	sld [smem:$0x3FAA]  }
0x2d: {  	s3 =	simm.s32 $0x108;
	s8 =	sld [smem:$0x3FAB]  }
0x2e: {  	s3 =	simm.s32 @!p0 $0x1082;
	s9 =	sld [smem:$0x3FAC]  }
0x2f: {  	lr =	sadd.s32 s0, s3;
	s0 =	sld [smem:$0x3FA3]  }
0x30: {  	s3 =	sld [smem:$0x3FA6]  }
0x31: {  	[smem:$0x3FAF] =	sst s10  }
0x32: {  	s10 =	sld [smem:$0x3FAD];
	_ =	sdelay $0x3  }
0x33: {  	p0 =	seq.s32 s10, $0x1;
	s10 =	sld [smem:$0x3FAF];
	_ =	sdelay $0x3  }
0x34: {  	[smem:$0x3FAF] =	sst s10  }
0x35: {  	s10 =	sld [smem:$0x3FAE];
	_ =	sdelay $0x3  }
0x36: {  	p1 =	seq.s32 s10, $0x1;
	s10 =	sld [smem:$0x3FAF];
	_ =	sdelay $0x3  }
0x37: {  	[smem:$0x3FAF] =	sst s10  }
0x38: {  	s10 =	sld [smem:$0x3FB0]  }
0x39: {  	_ = 	snop;
	(pc) =	sbr.ind lr, $3  }
0x3a: {  	_ = 	snop  }
0x3b: {  	_ = 	snop  }
0x3c: {  	p2 =	seq.s32 s10, $0x1;
	s10 =	sld [smem:$0x3FAF]  }
0x3d: {  	_ =	shalt  }
0x3e: {  	_ =	shalt  }
0x3f: {  	_ =	shalt  }
0x40: {  	_ =	shalt  }
0x41: {  	_ =	shalt  }
0x42: {  	_ =	shalt  }
0x43: {  	_ =	shalt  }
0x44: {  	_ =	shalt  }
0x45: {  	_ =	shalt  }
0x46: {  	_ =	shalt  }
0x47: {  	_ =	shalt  }
0x48: {  	_ =	shalt  }
0x49: {  	_ =	shalt  }
0x4a: {  	_ =	shalt  }
0x4b: {  	_ =	shalt  }
0x4c: {  	_ =	shalt  }
0x4d: {  	_ =	shalt  }
0x4e: {  	_ =	shalt  }
0x4f: {  	_ =	shalt  }
0x50: {  	_ =	shalt  }
0x51: {  	_ =	shalt  }
0x52: {  	_ =	shalt  }
0x53: {  	_ =	shalt  }
0x54: {  	_ =	shalt  }
0x55: {  	_ =	shalt  }
0x56: {  	_ =	shalt  }
0x57: {  	_ =	shalt  }
0x58: {  	_ =	shalt  }
0x59: {  	_ =	shalt  }
0x5a: {  	_ =	shalt  }
0x5b: {  	_ =	shalt  }
0x5c: {  	_ =	shalt  }
0x5d: {  	_ =	shalt  }
0x5e: {  	_ =	shalt  }
0x5f: {  	_ =	shalt  }
0x60: {  	_ =	shalt  }
0x61: {  	_ =	shalt  }
0x62: {  	_ =	shalt  }
0x63: {  	_ =	shalt  }
0x64: {  	_ =	shalt  }
0x65: {  	_ =	shalt  }
0x66: {  	_ =	shalt  }
0x67: {  	_ =	shalt  }
0x68: {  	_ =	shalt  }
0x69: {  	_ =	shalt  }
0x6a: {  	_ =	shalt  }
0x6b: {  	_ =	shalt  }
0x6c: {  	_ =	shalt  }
0x6d: {  	_ =	shalt  }
0x6e: {  	_ =	shalt  }
0x6f: {  	_ =	shalt  }
0x70: {  	_ =	shalt  }
0x71: {  	_ =	shalt  }
0x72: {  	_ =	shalt  }
0x73: {  	_ =	shalt  }
0x74: {  	_ =	shalt  }
0x75: {  	_ =	shalt  }
0x76: {  	_ =	shalt  }
0x77: {  	_ =	shalt  }
0x78: {  	_ =	shalt  }
0x79: {  	_ =	shalt  }
0x7a: {  	_ =	shalt  }
0x7b: {  	_ =	shalt  }
0x7c: {  	_ =	shalt  }
0x7d: {  	_ =	shalt  }
0x7e: {  	_ =	shalt  }
0x7f: {  	_ =	shalt  }
0x80: {  	_ =	shalt  }
0x81: {  	_ =	shalt  }
0x82: {  	_ =	shalt  }
0x83: {  	_ =	shalt  }
0x84: {  	_ =	shalt  }
0x85: {  	_ =	shalt  }
0x86: {  	_ =	shalt  }
0x87: {  	_ =	shalt  }
.Lfunc_end0:
.L_simem_size_0:
called_computation_lowered:
.L_overlay_start_0:
0x88: {  	s2 =	sld [smem:$0x3FD9]  }
0x89: {  	s3 =	sld [smem:$0x3FFE];
	_ =	sdelay $0x1  }
0x8a: {  	s1 =	srdreg.scid  }
0x8b: {  	s0 =	sand.u32 $0x1, s1  }
0x8c: {  	s17 =	sshll.u32 s0, $0xA;
	s2 =	sadd.s32 s3, s2  }
0x8d: {  	s2 =	sadd.s32 s2, s17  }
0x8e: {  	[smem:$0x3FBB] =	sst s2  }
0x8f: {  	_ = 	snop  }
0x90: {  	s2 =	sld [smem:$0x3FC7]  }
0x91: {  	s18 =	sld [smem:$0x3FD0];
	(tm) =	ssettm $0x1  }
0x92: {  	s4 =	sld [smem:$0x3FFB];
	_ =	sdelay $0x3  }
0x93: {  	_ =	strace s4  }
0x94: {  	s4 =	sld [smem:$0x3FFC];
	_ =	sdelay $0x3  }
0x95: {  	_ =	strace s4  }
0x96: {  	s4 =	sld [smem:$0x3FFD];
	_ =	sdelay $0x3  }
0x97: {  	_ =	strace s4  }
0x98: {  	_ =	strace $0x8FFFFFFF  }
0x99: {  	s19 =	sld [smem:$0x3FDB];
	_ =	sdelay $0x1  }
0x9a: {  	s5 =	simm.s32 $_scs_section_size  }
0x9b: {  	s6 =	simm.s32 $_size__tile_overlayer_lowered;
	s7 =	simm.s32 $_tile_overlayer_lowered  }
0x9c: {  	s22 =	simm.s32 $0x1BFF;
	s21 =	sshll.u32 s7, $0x1;
	s4 =	sadd.s32 s5, s19  }
0x9d: {  	s8 =	simm.s32 $0x0;
	s20 =	sshll.u32 s6, $0x1;
	s6 =	sadd.s32 s21, s4  }
0x9e: {  	[timem:s8], [sflag:s22] =	dma.local [hbm:s6], s20  }
0x9f: {  	_ =	swait.ge [sflag:s22], s20  }
0xa0: {  	s5 =	ssub.s32 $0x0, s20;
	[sflag:s22] =	ssyncset.done $0x0  }
0xa1: {  	[sflag:s22] =	ssyncadd.s32 s5;
	_ =	sdelay $0x1  }
0xa2: {  	s23 =	simm.s32 $0x1B8B  }
0xa3: {  	_ =	swait.ge [sflag:s23], $0x1  }
0xa4: {  	[sflag:s23] =	ssyncset.done $0x0  }
0xa5: {  	s25 =	simm.s32 $0x1B8E;
	s24 =	sld [smem:$0x3FFE];
	[sflag:s23] =	ssyncadd.s32 $0xFFFFFFFF  }
0xa6: {  	s26 =	simm.s32 $execute0_lowered;
	[smem:$0x3FD2] =	sst s25  }
0xa7: {  	s6 =	sshll.u32 s26, $0x1;
	_ =	strace $0x80000046;
	[dreg:$0x1] =	wrdreg $0xFFFFFFFF  }
0xa8: {  	s28 =	simm.s32 $_size_execute0_lowered;
	s4 =	sadd.s32 s4, s6;
	[dreg:$0x0] =	wrdreg $0x0  }
0xa9: {  	s6 =	sshll.u32 s28, $0x1;
	[dreg:$0x2] =	wrdreg s4  }
0xaa: {  	[dreg:$0x3] =	wrdreg s6  }
0xab: {  	[dreg:$0x4] =	wrdreg $0xC0  }
0xac: {  	_ =	task [dreg:s8], $0x5FFFF  }
0xad: {  	[dreg:$0x1] =	wrdreg $0xFFFFFFFF  }
0xae: {  	[dreg:$0x0] =	wrdreg $0x60  }
0xaf: {  	[dreg:$0x2] =	wrdreg s24  }
0xb0: {  	[dreg:$0x3] =	wrdreg s2  }
0xb1: {  	[dreg:$0x4] =	wrdreg s18  }
0xb2: {  	[dreg:$0x5] =	wrdreg $0xE0800  }
0xb3: {  	[dreg:$0x6] =	wrdreg $0x9  }
0xb4: {  	_ =	task.clear_ibuf [dreg:s8], $0x7FFFF;
	_ =	strace $0x90000046  }
0xb5: {  	s29 =	simm.s32 $0x9;
	_ =	strace $0x80000048  }
0xb6: {  	_ =	swait.ge [sflag:s29], $0x1  }
0xb7: {  	[sflag:s29] =	ssyncadd.s32 $0xFFFFFFFF  }
0xb8: {  	_ =	strace $0x90000048  }
0xb9: {  	_ =	sfence  }
0xba: {  	s30 =	sld [smem:$0x0];
	_ =	sdelay $0x2  }
0xbb: {  	s31 =	sshll.u32 s1, $0xD;
	s1 =	sshrl.u32 s1, $0x2  }
0xbc: {  	s3 =	sand.u32 $0x4000, s31;
	s1 =	sadd.s32 s1, s30  }
0xbd: {  	s0 =	sor.u32 s3, s0;
	s1 =	sshll.u32 s1, $0x11  }
0xbe: {  	s0 =	sor.u32 s1, s0  }
0xbf: {  	s0 =	sadd.s32 $0x8F2B, s0  }
0xc0: {  	[sflag:s0] =	ssyncadd.remote.s32 $0x1  }
0xc1: {  	_ =	sfence.sel $0xFFFF  }
0xc2: {  	[dreg:$0x0] =	wrdreg $0xFFFFFFFF;
	(pc) =	sbr.abs _section_cstart, $3  }
0xc3: {  	[dreg:$0x1] =	wrdreg $0xFFFFFFFF  }
0xc4: {  	_ =	task.clear_ibuf [dreg:s8], $0x2FFFF;
	_ =	strace $0x9FFFFFFF  }
0xc5: {  	(tm) =	ssettm $0x7FFFFFFF  }
tec
execute0_lowered:
.L_overlay_start_1:
0x0: {  	(tag) =	ssettag $0x1  }
0x1: {  	s1 =	srdreg.scid  }
0x2: {  	s1 =	sand.u32 $0x1, s1  }
0x3: {  	s4 =	rddreg [dreg:$0x0];
	p0 =	seq.s32 s1, $0x1  }
.Ltmp0:
0x4: {  	s5 =	rddreg [dreg:$0x1];
	(pc) =	sbr.rel @p0 .LBB2_9-.Ltmp0, $4  }
0x5: {  	s2 =	rddreg [dreg:$0x2]  }
0x6: {  	s3 =	rddreg [dreg:$0x3];
	s6 =	simm.s32 $0x0  }
0x7: {  	[smem:$0x7FF] =	sst s6  }
0x8: {  	s0 =	rddreg [dreg:$0x4];
	_ =	strace $0x80000047;
	s1 =	stileid.u32  }
0x9: {  	p0 =	seq.s32 s1, $0xF  }
0xa: {  	s6 =	sadd.s32 $0x9600, s5;
	s7 =	simm.s32 @p0 $0x0  }
0xb: {  	[tilespmem:s7], [sflag:$0x2] =	stream.linear.gather @p0 [hbm4b:s6+s7], $0x3200, $0x38;
	[tilespmem:$0x12080] =	vst v63  }
0xc: {  	s6 =	simm.s32 @p0 $0x2  }
0xd: {  	_ =	swait.ge @p0 [sflag:s6], $0x3200  }
0xe: {  	s8 =	sadd.s32 $0xA200, s4;
	[sflag:s6] =	ssyncset.done @p0 $0x0  }
0xf: {  	s28 =	smul.u32 $0xA00, s1;
	s9 =	simm.s32 @p0 $0x5000;
	[sflag:s6] =	ssyncadd.s32 @p0 $0xFFFFCE00  }
0x10: {  	[tilespmem:s9], [sflag:$0x2] =	stream.linear.gather @p0 [hbm4b:s8+s7], $0x3200, $0x38;
	[tilespmem:$0x12080] =	vst v63  }
0x11: {  	_ =	swait.ge @p0 [sflag:s6], $0x3200  }
0x12: {  	s5 =	sadd.s32 s5, s28;
	[sflag:s6] =	ssyncset.done @p0 $0x0  }
0x13: {  	s9 =	simm.s32 @!p0 $0x2;
	[sflag:s6] =	ssyncadd.s32 @p0 $0xFFFFCE00;
	s6 =	simm.s32 @!p0 $0x0  }
0x14: {  	[tilespmem:s6], [sflag:$0x2] =	stream.linear.gather @!p0 [hbm4b:s5+s6], $0x5000, $0x38;
	[tilespmem:$0x12080] =	vst v63  }
0x15: {  	s30 =	sshll.u32 s1, $0xE;
	s31 =	sshll.u32 s1, $0xB;
	_ =	swait.ge @!p0 [sflag:s9], $0x5000  }
0x16: {  	s2 =	sadd.s32 s2, s31;
	s29 =	sadd.s32 s28, s4;
	[sflag:s9] =	ssyncset.done @!p0 $0x0  }
0x17: {  	s7 =	sadd.s32 $0xC00, s29;
	s8 =	simm.s32 @!p0 $0x5000;
	[sflag:s9] =	ssyncadd.s32 @!p0 $0xFFFFB000  }
0x18: {  	[tilespmem:s8], [sflag:$0x2] =	stream.linear.gather @!p0 [hbm4b:s7+s6], $0x5000, $0x38;
	[tilespmem:$0x12080] =	vst v63  }
0x19: {  	s4 =	sadd.s32 $0xAA00, s4;
	s5 =	sadd.s32 s30, s3;
	_ =	swait.ge @!p0 [sflag:s9], $0x5000  }
0x1a: {  	s8 =	simm.s32 $0xC;
	s6 =	simm.s32 $0x40;
	[sflag:s9] =	ssyncset.done @!p0 $0x0  }
0x1b: {  	v0 =	vimm.f32 $0.0e+00;
	s7 =	simm.s32 $0x0;
	s8 =	simm.s32 @!p0 $0x14;
	[sflag:s9] =	ssyncadd.s32 @!p0 $0xFFFFB000  }
.LBB2_2:
0x1c: {  	p0 =	sne.s32 s6, $0xFFC0;
	[tilespmem:s7+$0xA000] =	vst v0;
	s7 =	smov.u32 s6;
	s6 =	sadd.s32 $0x40, s6  }
.Ltmp1:
0x1d: {  	(pc) =	sbr.rel @p0 .LBB2_2-.Ltmp1, $2  }
0x1e: {  	_ =	sdelay $0x2  }
0x1f: {  	s7 =	sshra.s32 s7, $0x2  }
0x20: {  	[tilespmem:s7+$0xA000] =	vst v0;
	s7 =	simm.s32 $0xA000;
	s11 =	sshll.u32 s8, $0xC  }
0x21: {  	[spmem:s5] =	stream.linear.scatter [tilespmem:s7], [sflag:$0x2], $0x4000, $0x38;
	[tilespmem:$0x12080] =	vst v63  }
0x22: {  	s6 =	simm.s32 $0x2;
	p1 =	sne.s32 s11, $0x1000  }
.Ltmp2:
0x23: {  	_ =	swait.ge [sflag:s6], $0x4000;
	(pc) =	sbr.rel @!p1 .LBB2_6-.Ltmp2, $4  }
0x24: {  	[sflag:s6] =	ssyncset.done $0x0  }
0x25: {  	[sflag:s6] =	ssyncadd.s32 $0xFFFFC000  }
0x26: {  	s8 =	simm.s32 $0x0;
	s10 =	simm.s32 $0x80;
	[bflag:$0x0] =	sbarrier.arrive $0xFFFF  }
0x27: {  	s9 =	simm.s32 $0x1;
	s14 =	simm.s32 $0x0;
	p0 =	por $0x0, $0x0  }
0x28: {  	s12 =	simm.s32 $0x5000  }
0x29: {  	[spmem:s3] =	stream.indirect.scatter.add.f32 [tilespmem:s12], [sflag:$0x1], $0x1, s14, s10, $0xb8;
	[tilespmem:$0x12080] =	vst v63  }
0x2a: {  	s18 =	simm.s32 $0x5080;
	s13 =	simm.s32 $0x80  }
0x2b: {  	[spmem:s3] =	stream.indirect.scatter.add.f32 [tilespmem:s18], [sflag:$0x1], $0x1, s13, s10, $0xb8;
	[tilespmem:$0x12080] =	vst v63  }
0x2c: {  	s19 =	simm.s32 $0x5100;
	s20 =	simm.s32 $0x100  }
0x2d: {  	[spmem:s3] =	stream.indirect.scatter.add.f32 [tilespmem:s19], [sflag:$0x1], $0x1, s20, s10, $0xb8;
	[tilespmem:$0x12080] =	vst v63  }
0x2e: {  	s21 =	simm.s32 $0x5180;
	s22 =	simm.s32 $0x180  }
0x2f: {  	[spmem:s3] =	stream.indirect.scatter.add.f32 [tilespmem:s21], [sflag:$0x1], $0x1, s22, s10, $0xb8;
	[tilespmem:$0x12080] =	vst v63  }
0x30: {  	s23 =	simm.s32 $0x5200;
	s24 =	simm.s32 $0x200  }
0x31: {  	[spmem:s3] =	stream.indirect.scatter.add.f32 [tilespmem:s23], [sflag:$0x1], $0x1, s24, s10, $0xb8;
	[tilespmem:$0x12080] =	vst v63  }
0x32: {  	s25 =	simm.s32 $0x5280;
	s26 =	simm.s32 $0x280  }
0x33: {  	[spmem:s3] =	stream.indirect.scatter.add.f32 [tilespmem:s25], [sflag:$0x1], $0x1, s26, s10, $0xb8;
	[tilespmem:$0x12080] =	vst v63  }
0x34: {  	s28 =	simm.s32 $0x5300;
	s29 =	simm.s32 $0x300  }
0x35: {  	[spmem:s3] =	stream.indirect.scatter.add.f32 [tilespmem:s28], [sflag:$0x1], $0x1, s29, s10, $0xb8;
	[tilespmem:$0x12080] =	vst v63  }
0x36: {  	s30 =	simm.s32 $0x5380;
	s31 =	simm.s32 $0x380  }
0x37: {  	[spmem:s3] =	stream.indirect.scatter.add.f32 [tilespmem:s30], [sflag:$0x1], $0x1, s31, s10, $0xb8;
	[tilespmem:$0x12080] =	vst v63  }
0x38: {  	_ =	swait.ge [sflag:s9], $0x80  }
0x39: {  	[sflag:s9] =	ssyncset.done $0x0  }
0x3a: {  	[sflag:s9] =	ssyncadd.s32 $0xFFFFFF80  }
0x3b: {  	_ =	swait.ge [sflag:s9], $0x80  }
0x3c: {  	[sflag:s9] =	ssyncset.done $0x0  }
0x3d: {  	[sflag:s9] =	ssyncadd.s32 $0xFFFFFF80  }
0x3e: {  	_ =	swait.ge [sflag:s9], $0x80  }
0x3f: {  	[sflag:s9] =	ssyncset.done $0x0  }
0x40: {  	[sflag:s9] =	ssyncadd.s32 $0xFFFFFF80  }
0x41: {  	_ =	swait.ge [sflag:s9], $0x80  }
0x42: {  	[sflag:s9] =	ssyncset.done $0x0  }
0x43: {  	[sflag:s9] =	ssyncadd.s32 $0xFFFFFF80  }
0x44: {  	_ =	swait.ge [sflag:s9], $0x80  }
0x45: {  	[sflag:s9] =	ssyncset.done $0x0  }
0x46: {  	[sflag:s9] =	ssyncadd.s32 $0xFFFFFF80  }
0x47: {  	_ =	swait.ge [sflag:s9], $0x80  }
0x48: {  	[sflag:s9] =	ssyncset.done $0x0  }
0x49: {  	p1 =	sne.s32 s11, $0x2000;
	[sflag:s9] =	ssyncadd.s32 $0xFFFFFF80  }
.Ltmp3:
0x4a: {  	_ =	swait.ge [sflag:s9], $0x80;
	(pc) =	sbr.rel @!p1 .LBB2_6-.Ltmp3, $4  }
0x4b: {  	[sflag:s9] =	ssyncset.done $0x0  }
0x4c: {  	[sflag:s9] =	ssyncadd.s32 $0xFFFFFF80  }
0x4d: {  	p0 =	por $0x1, $0x1;
	_ =	swait.ge [sflag:s9], $0x80  }
0x4e: {  	s12 =	simm.s32 $0x2000;
	s14 =	simm.s32 $0x400;
	[sflag:s9] =	ssyncset.done $0x0  }
.LBB2_5:
0x4f: {  	s15 =	sadd.s32 $0x5000, s14  }
0x50: {  	[sflag:s9] =	ssyncadd.s32 $0xFFFFFF80;
	s13 =	smov.u32 s12;
	s12 =	sadd.s32 $0x1000, s12  }
0x51: {  	[spmem:s3] =	stream.indirect.scatter.add.f32 [tilespmem:s15], [sflag:$0x1], $0x1, s14, s10, $0xb8;
	[tilespmem:$0x12080] =	vst v63  }
0x52: {  	s16 =	sadd.s32 $0x80, s14;
	p1 =	sne.s32 s11, s12;
	s15 =	sadd.s32 $0x5080, s14  }
0x53: {  	[spmem:s3] =	stream.indirect.scatter.add.f32 [tilespmem:s15], [sflag:$0x1], $0x1, s16, s10, $0xb8;
	[tilespmem:$0x12080] =	vst v63  }
0x54: {  	s15 =	sadd.s32 $0x5100, s14;
	s16 =	sadd.s32 $0x100, s14  }
0x55: {  	[spmem:s3] =	stream.indirect.scatter.add.f32 [tilespmem:s15], [sflag:$0x1], $0x1, s16, s10, $0xb8;
	[tilespmem:$0x12080] =	vst v63  }
0x56: {  	s15 =	sadd.s32 $0x5180, s14;
	s16 =	sadd.s32 $0x180, s14  }
0x57: {  	[spmem:s3] =	stream.indirect.scatter.add.f32 [tilespmem:s15], [sflag:$0x1], $0x1, s16, s10, $0xb8;
	[tilespmem:$0x12080] =	vst v63  }
0x58: {  	s15 =	sadd.s32 $0x5200, s14;
	s16 =	sadd.s32 $0x200, s14  }
0x59: {  	[spmem:s3] =	stream.indirect.scatter.add.f32 [tilespmem:s15], [sflag:$0x1], $0x1, s16, s10, $0xb8;
	[tilespmem:$0x12080] =	vst v63  }
0x5a: {  	s15 =	sadd.s32 $0x5280, s14;
	s16 =	sadd.s32 $0x280, s14  }
0x5b: {  	[spmem:s3] =	stream.indirect.scatter.add.f32 [tilespmem:s15], [sflag:$0x1], $0x1, s16, s10, $0xb8;
	[tilespmem:$0x12080] =	vst v63  }
0x5c: {  	s15 =	sadd.s32 $0x5300, s14;
	s16 =	sadd.s32 $0x300, s14  }
0x5d: {  	[spmem:s3] =	stream.indirect.scatter.add.f32 [tilespmem:s15], [sflag:$0x1], $0x1, s16, s10, $0xb8;
	[tilespmem:$0x12080] =	vst v63  }
0x5e: {  	s15 =	sadd.s32 $0x5380, s14;
	s14 =	sadd.s32 $0x380, s14  }
0x5f: {  	[spmem:s3] =	stream.indirect.scatter.add.f32 [tilespmem:s15], [sflag:$0x1], $0x1, s14, s10, $0xb8;
	[tilespmem:$0x12080] =	vst v63  }
0x60: {  	_ =	swait.ge [sflag:s9], $0x80  }
0x61: {  	[sflag:s9] =	ssyncset.done $0x0  }
0x62: {  	[sflag:s9] =	ssyncadd.s32 $0xFFFFFF80  }
0x63: {  	_ =	swait.ge [sflag:s9], $0x80  }
0x64: {  	[sflag:s9] =	ssyncset.done $0x0  }
0x65: {  	[sflag:s9] =	ssyncadd.s32 $0xFFFFFF80  }
0x66: {  	_ =	swait.ge [sflag:s9], $0x80  }
0x67: {  	[sflag:s9] =	ssyncset.done $0x0  }
0x68: {  	[sflag:s9] =	ssyncadd.s32 $0xFFFFFF80  }
0x69: {  	_ =	swait.ge [sflag:s9], $0x80  }
0x6a: {  	[sflag:s9] =	ssyncset.done $0x0  }
0x6b: {  	[sflag:s9] =	ssyncadd.s32 $0xFFFFFF80  }
0x6c: {  	_ =	swait.ge [sflag:s9], $0x80  }
0x6d: {  	[sflag:s9] =	ssyncset.done $0x0  }
0x6e: {  	[sflag:s9] =	ssyncadd.s32 $0xFFFFFF80  }
0x6f: {  	_ =	swait.ge [sflag:s9], $0x80  }
0x70: {  	[sflag:s9] =	ssyncset.done $0x0  }
0x71: {  	[sflag:s9] =	ssyncadd.s32 $0xFFFFFF80  }
.Ltmp4:
0x72: {  	_ =	swait.ge [sflag:s9], $0x80;
	(pc) =	sbr.rel @p1 .LBB2_5-.Ltmp4, $4  }
0x73: {  	[sflag:s9] =	ssyncset.done $0x0  }
0x74: {  	[sflag:s9] =	ssyncadd.s32 $0xFFFFFF80  }
0x75: {  	_ =	swait.ge [sflag:s9], $0x80  }
0x76: {  	s14 =	sshra.s32 s13, $0x2;
	[sflag:s9] =	ssyncset.done $0x0  }
.LBB2_6:
0x77: {  	s11 =	sadd.s32 $0x5000, s14;
	[sflag:s9] =	ssyncadd.s32 @p0 $0xFFFFFF80  }
0x78: {  	[spmem:s3] =	stream.indirect.scatter.add.f32 [tilespmem:s11], [sflag:$0x1], $0x1, s14, s10, $0xb8;
	[tilespmem:$0x12080] =	vst v63  }
0x79: {  	s17 =	sadd.s32 $0x5080, s14;
	s12 =	sadd.s32 $0x80, s14  }
0x7a: {  	[spmem:s3] =	stream.indirect.scatter.add.f32 [tilespmem:s17], [sflag:$0x1], $0x1, s12, s10, $0xb8;
	[tilespmem:$0x12080] =	vst v63  }
0x7b: {  	s18 =	sadd.s32 $0x5100, s14;
	s19 =	sadd.s32 $0x100, s14  }
0x7c: {  	[spmem:s3] =	stream.indirect.scatter.add.f32 [tilespmem:s18], [sflag:$0x1], $0x1, s19, s10, $0xb8;
	[tilespmem:$0x12080] =	vst v63  }
0x7d: {  	s20 =	sadd.s32 $0x5180, s14;
	s21 =	sadd.s32 $0x180, s14  }
0x7e: {  	[spmem:s3] =	stream.indirect.scatter.add.f32 [tilespmem:s20], [sflag:$0x1], $0x1, s21, s10, $0xb8;
	[tilespmem:$0x12080] =	vst v63  }
0x7f: {  	s22 =	sadd.s32 $0x5200, s14;
	s23 =	sadd.s32 $0x200, s14  }
0x80: {  	[spmem:s3] =	stream.indirect.scatter.add.f32 [tilespmem:s22], [sflag:$0x1], $0x1, s23, s10, $0xb8;
	[tilespmem:$0x12080] =	vst v63  }
0x81: {  	s24 =	sadd.s32 $0x5280, s14;
	s25 =	sadd.s32 $0x280, s14  }
0x82: {  	[spmem:s3] =	stream.indirect.scatter.add.f32 [tilespmem:s24], [sflag:$0x1], $0x1, s25, s10, $0xb8;
	[tilespmem:$0x12080] =	vst v63  }
0x83: {  	s26 =	sadd.s32 $0x5300, s14;
	s28 =	sadd.s32 $0x300, s14  }
0x84: {  	[spmem:s3] =	stream.indirect.scatter.add.f32 [tilespmem:s26], [sflag:$0x1], $0x1, s28, s10, $0xb8;
	[tilespmem:$0x12080] =	vst v63  }
0x85: {  	s29 =	sadd.s32 $0x5380, s14;
	s30 =	sadd.s32 $0x380, s14  }
0x86: {  	[spmem:s3] =	stream.indirect.scatter.add.f32 [tilespmem:s29], [sflag:$0x1], $0x1, s30, s10, $0xb8;
	[tilespmem:$0x12080] =	vst v63  }
0x87: {  	_ =	swait.ge [sflag:s9], $0x80  }
0x88: {  	[sflag:s9] =	ssyncset.done $0x0  }
0x89: {  	[sflag:s9] =	ssyncadd.s32 $0xFFFFFF80  }
0x8a: {  	_ =	swait.ge [sflag:s9], $0x80  }
0x8b: {  	[sflag:s9] =	ssyncset.done $0x0  }
0x8c: {  	[sflag:s9] =	ssyncadd.s32 $0xFFFFFF80  }
0x8d: {  	_ =	swait.ge [sflag:s9], $0x80  }
0x8e: {  	[sflag:s9] =	ssyncset.done $0x0  }
0x8f: {  	[sflag:s9] =	ssyncadd.s32 $0xFFFFFF80  }
0x90: {  	_ =	swait.ge [sflag:s9], $0x80  }
0x91: {  	[sflag:s9] =	ssyncset.done $0x0  }
0x92: {  	[sflag:s9] =	ssyncadd.s32 $0xFFFFFF80  }
0x93: {  	_ =	swait.ge [sflag:s9], $0x80  }
0x94: {  	[sflag:s9] =	ssyncset.done $0x0  }
0x95: {  	[sflag:s9] =	ssyncadd.s32 $0xFFFFFF80  }
0x96: {  	_ =	swait.ge [sflag:s9], $0x80  }
0x97: {  	[sflag:s9] =	ssyncset.done $0x0  }
0x98: {  	[sflag:s9] =	ssyncadd.s32 $0xFFFFFF80  }
0x99: {  	_ =	swait.ge [sflag:s9], $0x80  }
0x9a: {  	[sflag:s9] =	ssyncset.done $0x0  }
0x9b: {  	[sflag:s9] =	ssyncadd.s32 $0xFFFFFF80  }
0x9c: {  	p0 =	sne.s32 s1, $0xF;
	_ =	swait.ge [sflag:s9], $0x80  }
0x9d: {  	s11 =	simm.s32 @!p0 $0x8000;
	[sflag:s9] =	ssyncset.done $0x0  }
0x9e: {  	s10 =	simm.s32 @!p0 $0x3000;
	[sflag:s9] =	ssyncadd.s32 $0xFFFFFF80;
	s9 =	simm.s32 @!p0 $0x80  }
0x9f: {  	[spmem:s3] =	stream.indirect.scatter.add.f32 @!p0 [tilespmem:s11], [sflag:$0x1], $0x1, s10, s9, $0xb8;
	[tilespmem:$0x12080] =	vst v63  }
0xa0: {  	s10 =	simm.s32 @!p0 $0x3080;
	s11 =	simm.s32 @!p0 $0x8080  }
0xa1: {  	[spmem:s3] =	stream.indirect.scatter.add.f32 @!p0 [tilespmem:s11], [sflag:$0x1], $0x1, s10, s9, $0xb8;
	[tilespmem:$0x12080] =	vst v63  }
0xa2: {  	s10 =	simm.s32 @!p0 $0x3100;
	s11 =	simm.s32 @!p0 $0x8100  }
0xa3: {  	[spmem:s3] =	stream.indirect.scatter.add.f32 @!p0 [tilespmem:s11], [sflag:$0x1], $0x1, s10, s9, $0xb8;
	[tilespmem:$0x12080] =	vst v63  }
0xa4: {  	s10 =	simm.s32 @!p0 $0x3180;
	s11 =	simm.s32 @!p0 $0x8180  }
0xa5: {  	[spmem:s3] =	stream.indirect.scatter.add.f32 @!p0 [tilespmem:s11], [sflag:$0x1], $0x1, s10, s9, $0xb8;
	[tilespmem:$0x12080] =	vst v63  }
0xa6: {  	s3 =	simm.s32 @!p0 $0x1  }
0xa7: {  	_ =	swait.ge @!p0 [sflag:s3], $0x80  }
0xa8: {  	[sflag:s3] =	ssyncset.done @!p0 $0x0  }
0xa9: {  	[sflag:s3] =	ssyncadd.s32 @!p0 $0xFFFFFF80  }
0xaa: {  	_ =	swait.ge @!p0 [sflag:s3], $0x80  }
0xab: {  	[sflag:s3] =	ssyncset.done @!p0 $0x0  }
0xac: {  	[sflag:s3] =	ssyncadd.s32 @!p0 $0xFFFFFF80  }
0xad: {  	_ =	swait.ge @!p0 [sflag:s3], $0x80  }
0xae: {  	[sflag:s3] =	ssyncset.done @!p0 $0x0  }
0xaf: {  	[sflag:s3] =	ssyncadd.s32 @!p0 $0xFFFFFF80  }
0xb0: {  	_ =	swait.ge @!p0 [sflag:s3], $0x80  }
0xb1: {  	[sflag:s3] =	ssyncset.done @!p0 $0x0  }
0xb2: {  	[sflag:s3] =	ssyncadd.s32 @!p0 $0xFFFFFF80  }
0xb3: {  	s31 =	simm.s32 $0xE000;
	[bflag:$0x0] =	sbarrier.arrive $0xFFFF  }
0xb4: {  	[tilespmem:s31], [sflag:$0x2] =	stream.linear.gather [hbm4b:s4+s8], $0x80, $0x38;
	[tilespmem:$0x12080] =	vst v63  }
0xb5: {  	_ =	swait.ge [sflag:s6], $0x80  }
0xb6: {  	[sflag:s6] =	ssyncset.done $0x0  }
0xb7: {  	[sflag:s6] =	ssyncadd.s32 $0xFFFFFF80  }
0xb8: {  	[tilespmem:s7], [sflag:$0x2] =	stream.linear.gather [spmem:s5], $0x4000, $0x38;
	[tilespmem:$0x12080] =	vst v63  }
0xb9: {  	_ =	swait.ge [sflag:s6], $0x4000  }
0xba: {  	[sflag:s6] =	ssyncset.done $0x0  }
0xbb: {  	[sflag:s6] =	ssyncadd.s32 $0xFFFFC000  }
0xbc: {  	v6 =	vld [tilespmem:$0xE000]  }
0xbd: {  	v7 =	vld [tilespmem:$0xE010]  }
0xbe: {  	v5 =	vld [tilespmem:$0xE020]  }
0xbf: {  	v4 =	vld [tilespmem:$0xE030]  }
0xc0: {  	v3 =	vld [tilespmem:$0xE040]  }
0xc1: {  	v2 =	vld [tilespmem:$0xE050]  }
0xc2: {  	v1 =	vld [tilespmem:$0xE060]  }
0xc3: {  	s3 =	simm.s32 $0x0;
	v0 =	vld [tilespmem:$0xE070]  }
0xc4: {  	v11 =	vld [tilespmem:s3+$0xA000]  }
0xc5: {  	v13 =	vld [tilespmem:s3+$0xA010]  }
0xc6: {  	v12 =	vld [tilespmem:s3+$0xA020]  }
0xc7: {  	v10 =	vld [tilespmem:s3+$0xA030]  }
0xc8: {  	v8 =	vld [tilespmem:s3+$0xA040]  }
0xc9: {  	v9 =	vld [tilespmem:s3+$0xA050];
	v14 =	vadd.f32 v11, v6  }
0xca: {  	s4 =	simm.s32 $0x200;
	v13 =	vadd.f32 v13, v7;
	v11 =	vld [tilespmem:s3+$0xA060]  }
.LBB2_7:
0xcb: {  	s5 =	sshra.s32 s4, $0x2;
	p0 =	sne.s32 s4, $0xFE00;
	[tilespmem:s3+$0xA000] =	vst v14;
	v12 =	vadd.f32 v12, v5;
	v14 =	vld [tilespmem:s3+$0xA070]  }
0xcc: {  	v15 =	vld [tilespmem:s5+$0xA000];
	[tilespmem:s3+$0xA010] =	vst v13;
	v10 =	vadd.f32 v10, v4  }
0xcd: {  	v13 =	vld [tilespmem:s5+$0xA010];
	[tilespmem:s3+$0xA020] =	vst v12;
	v8 =	vadd.f32 v8, v3  }
.Ltmp5:
0xce: {  	v12 =	vld [tilespmem:s5+$0xA020];
	[tilespmem:s3+$0xA030] =	vst v10;
	v9 =	vadd.f32 v9, v2;
	(pc) =	sbr.rel @p0 .LBB2_7-.Ltmp5, $4  }
0xcf: {  	v10 =	vld [tilespmem:s5+$0xA030];
	[tilespmem:s3+$0xA040] =	vst v8;
	v11 =	vadd.f32 v11, v1  }
0xd0: {  	v8 =	vld [tilespmem:s5+$0xA040];
	[tilespmem:s3+$0xA050] =	vst v9;
	v16 =	vadd.f32 v14, v0  }
0xd1: {  	v14 =	vadd.f32 v15, v6;
	v9 =	vld [tilespmem:s5+$0xA050];
	[tilespmem:s3+$0xA060] =	vst v11  }
0xd2: {  	s4 =	sadd.s32 $0x200, s4;
	v13 =	vadd.f32 v13, v7;
	v11 =	vld [tilespmem:s5+$0xA060];
	[tilespmem:s3+$0xA070] =	vst v16;
	s3 =	smov.u32 s5  }
0xd3: {  	[tilespmem:s3+$0xA000] =	vst v14;
	v5 =	vadd.f32 v12, v5;
	v6 =	vld [tilespmem:s3+$0xA070]  }
0xd4: {  	[tilespmem:s3+$0xA010] =	vst v13;
	v4 =	vadd.f32 v10, v4  }
0xd5: {  	[tilespmem:s3+$0xA020] =	vst v5;
	v3 =	vadd.f32 v8, v3  }
0xd6: {  	[tilespmem:s3+$0xA030] =	vst v4;
	v2 =	vadd.f32 v9, v2  }
0xd7: {  	[tilespmem:s3+$0xA040] =	vst v3;
	v1 =	vadd.f32 v11, v1  }
0xd8: {  	[tilespmem:s3+$0xA050] =	vst v2;
	v0 =	vadd.f32 v6, v0  }
0xd9: {  	[tilespmem:s3+$0xA060] =	vst v1  }
0xda: {  	s30 =	simm.s32 $0x0;
	s4 =	simm.s32 $0xA000;
	s31 =	simm.s32 $0x2;
	[tilespmem:s3+$0xA070] =	vst v0  }
0xdb: {  	[hbm4b:s2+s30] =	stream.linear.scatter [tilespmem:s4], [sflag:$0x2], $0x4000, $0x38;
	[tilespmem:$0x12080] =	vst v63  }
0xdc: {  	_ =	swait.ge [sflag:s31], $0x4000  }
0xdd: {  	[sflag:s31] =	ssyncset.done $0x0  }
0xde: {  	[sflag:s31] =	ssyncadd.s32 $0xFFFFC000  }
.LBB2_9:
0xdf: {  	_ =	sfence.sel $0x180000  }
0xe0: {  	[bflag:$0x0] =	sbarrier.arrive $0xFFFF  }
0xe1: {  	p0 =	sne.s32 s1, $0x0;
	_ =	strace $0x90000047  }
0xe2: {  	s0 =	sadd.s32 @!p0 $0x100000, s0;
	[bflag:$0x2] =	sbarrier.arrive $0xFFFF  }
0xe3: {  	[sflag:s0] =	ssyncadd.tile.s32 @!p0 $0x1;
	_ =	shalt  }
.Lfunc_end2:
_tile_overlayer_lowered:
.L_overlay_start_2:
0xe4: {  	(tag) =	ssettag $0x2  }
0xe5: {  	s0 =	rddreg [dreg:$0x0];
	s2 =	stileid.u32  }
0xe6: {  	s1 =	rddreg [dreg:$0x1];
	p0 =	sne.s32 s2, $0x0  }
0xe7: {  	s3 =	rddreg [dreg:$0x2];
	[bflag:$0x3] =	sbarrier.arrive $0xFFFF;
	s2 =	simm.s32 @!p0 $0x1C02  }
0xe8: {  	[timem:s3], [sflag:s2] =	dma.local @!p0 [hbm:s0], s1  }
0xe9: {  	s0 =	simm.s32 @!p0 $0x2  }
0xea: {  	_ =	swait.ge @!p0 [sflag:s0], s1  }
0xeb: {  	s1 =	ssub.s32 @!p0 $0x0, s1;
	[sflag:s0] =	ssyncset.done @!p0 $0x0  }
0xec: {  	[sflag:s0] =	ssyncadd.s32 @!p0 s1  }
0xed: {  	[bflag:$0x3] =	sbarrier.arrive $0xFFFF  }
0xee: {  	_ =	shalt  }

</sc_bundles>
